<compile_context>
chip_gen: v7x
topology: tpu7x:2x2x1
jax: 0.10.2.dev20260603
libtpu: 0.0.44.dev20260713+nightly
codegen_flags: <defaults>
</compile_context>

<pallas_src>
import functools

import jax
import jax.numpy as jnp
from jax import lax
from jax.experimental import pallas as pl
from jax.experimental.pallas import tpu as pltpu
from jax.experimental.pallas import tpu_sc as plsc

NC = 2
NS = 16
NW = NC * NS
LANES = 16
D = 128


def _mesh():
    return plsc.VectorSubcoreMesh(
        core_axis_name="c", subcore_axis_name="s", num_cores=NC, num_subcores=NS
    )


def _make_deg_kernel(npad, nch, ch):
    rpt = npad // NS

    @functools.partial(
        pl.kernel,
        out_type=jax.ShapeDtypeStruct((NC * npad,), jnp.float32),
        mesh=_mesh(),
        scratch_types=[
            pltpu.VMEM((nch, ch), jnp.int32),
            pltpu.VMEM((ch,), jnp.float32),
            pltpu.VMEM((rpt,), jnp.float32),
            pltpu.VMEM_SHARED((npad,), jnp.float32),
        ],
    )
    def deg_kernel(dst_hbm, out_hbm, idx_v, ones_v, zb_v, deg_sp):
        c = lax.axis_index("c")
        s = lax.axis_index("s")
        wid = s * NC + c

        @pl.loop(0, ch // LANES)
        def _(i):
            ones_v[pl.ds(i * LANES, LANES)] = jnp.ones((LANES,), jnp.float32)

        @pl.loop(0, rpt // LANES)
        def _(i):
            zb_v[pl.ds(i * LANES, LANES)] = jnp.zeros((LANES,), jnp.float32)

        pltpu.sync_copy(zb_v, deg_sp.at[pl.ds(s * rpt, rpt)])
        plsc.subcore_barrier()

        pltpu.sync_copy(dst_hbm.at[wid], idx_v)

        @pl.loop(0, nch)
        def _(j):
            pltpu.sync_copy(ones_v, deg_sp.at[idx_v.at[j]], add=True)

        plsc.subcore_barrier()
        pltpu.sync_copy(
            deg_sp.at[pl.ds(s * rpt, rpt)],
            out_hbm.at[pl.ds(c * npad + s * rpt, rpt)],
        )

    return deg_kernel


def _make_agg_kernel(npad2, nch, ch):
    rpt = npad2 // NS
    nz = rpt // ch
    ntrash = 64
    acc_rows = npad2 + ntrash

    @functools.partial(
        pl.kernel,
        out_type=jax.ShapeDtypeStruct((NC, npad2, D), jnp.float32),
        mesh=_mesh(),
        scratch_types=[
            pltpu.VMEM((nch, ch), jnp.int32),
            pltpu.VMEM((nch, ch), jnp.int32),
            pltpu.VMEM((ch, D), jnp.float32),
            pltpu.VMEM((ch, D), jnp.float32),
            pltpu.VMEM_SHARED((acc_rows, D), jnp.float32),
            pltpu.SemaphoreType.DMA,
            pltpu.SemaphoreType.DMA,
        ],
    )
    def agg_kernel(
        g_hbm, src_hbm, dst_hbm, out_hbm,
        src_v, dst_v, rows0_v, rows1_v, s_sp, gsem0, gsem1,
    ):
        c = lax.axis_index("c")
        s = lax.axis_index("s")
        base = c * npad2

        @pl.loop(0, ch)
        def _(r):
            @pl.loop(0, D // LANES)
            def _(i):
                rows0_v[pl.ds(r, 1), pl.ds(i * LANES, LANES)] = jnp.zeros(
                    (1, LANES), jnp.float32
                )

        @pl.loop(0, nz)
        def _(k):
            pltpu.sync_copy(rows0_v, s_sp.at[pl.ds(s * rpt + k * ch, ch)])

        rem = rpt - nz * ch
        if rem:
            pltpu.sync_copy(
                rows0_v.at[pl.ds(0, rem)],
                s_sp.at[pl.ds(s * rpt + nz * ch, rem)],
            )

        plsc.subcore_barrier()

        pltpu.sync_copy(src_hbm.at[s], src_v)
        pltpu.sync_copy(dst_hbm.at[s], dst_v)

        @pl.loop(0, nch)
        def _(j):
            @pl.loop(0, ch // LANES)
            def _(k):
                v = dst_v[j, pl.ds(k * LANES, LANES)]
                ok = (v >= base) & (v < base + npad2)
                tr = npad2 + (v & (ntrash - 1))
                dst_v[j, pl.ds(k * LANES, LANES)] = jnp.where(ok, v - base, tr)

        def gather(j, buf, sem):
            pltpu.async_copy(g_hbm.at[src_v.at[j]], buf, sem)

        def drain_g(buf, sem):
            pltpu.make_async_copy(g_hbm.at[pl.ds(0, ch)], buf, sem).wait()

        def scatter(j, buf):
            pltpu.sync_copy(buf, s_sp.at[dst_v.at[j]], add=True)

        gather(0, rows0_v, gsem0)

        @pl.loop(0, nch // 2 - 1)
        def _(jj):
            j0 = jj * 2
            drain_g(rows0_v, gsem0)
            gather(j0 + 1, rows1_v, gsem1)
            scatter(j0, rows0_v)
            drain_g(rows1_v, gsem1)
            gather(j0 + 2, rows0_v, gsem0)
            scatter(j0 + 1, rows1_v)

        drain_g(rows0_v, gsem0)
        gather(nch - 1, rows1_v, gsem1)
        scatter(nch - 2, rows0_v)
        drain_g(rows1_v, gsem1)
        scatter(nch - 1, rows1_v)

        plsc.subcore_barrier()
        pltpu.sync_copy(
            s_sp.at[pl.ds(s * rpt, rpt)], out_hbm.at[c, pl.ds(s * rpt, rpt)]
        )

    return agg_kernel


def _mm_scale_body(x_ref, w_ref, deg_ref, g_ref, dinv_ref):
    deg = deg_ref[0] + deg_ref[1] + 1.0
    dinv = lax.rsqrt(deg)
    h = jnp.dot(x_ref[...], w_ref[...], preferred_element_type=jnp.float32)
    g_ref[...] = h * dinv
    dinv_ref[...] = dinv


def _mid_body(s_ref, g_ref, dinv_ref, b_ref, w_ref, g2_ref):
    dinv = dinv_ref[...]
    t = (s_ref[0] + g_ref[...]) * dinv + b_ref[...]
    z = jnp.maximum(t, 0.0)
    g2_ref[...] = jnp.dot(z, w_ref[...], preferred_element_type=jnp.float32) * dinv


def _final_body(s_ref, g_ref, dinv_ref, b_ref, out_ref):
    out_ref[...] = (s_ref[0] + g_ref[...]) * dinv_ref[...] + b_ref[...]


@jax.jit
def kernel(x, edge_index, W1, b1, W2, b2):
    n, d = x.shape
    e = edge_index.shape[1]
    npad = ((n + NS * 128 - 1) // (NS * 128)) * (NS * 128)
    npad2 = npad // NC
    chd = 80
    nchd = e // (NW * chd)
    ch = 128
    ept = e // NS
    nch = -(-ept // ch)
    nch += nch % 2
    tpad = nch * ch - ept

    src_i = edge_index[0].astype(jnp.int32)
    dst_i = edge_index[1].astype(jnp.int32)
    dst_d = dst_i.reshape(NW, nchd, chd)
    pad_src = jnp.tile(jnp.arange(tpad, dtype=jnp.int32)[None, :] * 13 % jnp.int32(n), (NS, 1))
    pad_dst = jnp.full((NS, tpad), npad, jnp.int32)
    src_a = jnp.concatenate([src_i.reshape(NS, ept), pad_src], 1).reshape(NS, nch, ch)
    dst_a = jnp.concatenate([dst_i.reshape(NS, ept), pad_dst], 1).reshape(NS, nch, ch)
    x_pad = jnp.zeros((npad, d), x.dtype).at[:n].set(x)
    b1r = b1.reshape(1, D)
    b2r = b2.reshape(1, D)

    deg = _make_deg_kernel(npad, nchd, chd)(dst_d)
    deg3 = deg.reshape(NC, npad, 1)

    bm = 1024
    npb = npad2 // bm
    grid = (npad // bm,)
    row = lambda i: (i, 0)
    s_spec = pl.BlockSpec((1, bm, D), lambda i: (i // npb, i % npb, 0))
    x_spec = pl.BlockSpec((bm, D), row)
    w_spec = pl.BlockSpec((D, D), lambda i: (0, 0))
    v_spec = pl.BlockSpec((bm, 1), row)
    b_spec = pl.BlockSpec((1, D), lambda i: (0, 0))
    deg_spec = pl.BlockSpec((NC, bm, 1), lambda i: (0, i, 0))

    g1, dinv = pl.pallas_call(
        _mm_scale_body,
        grid=grid,
        in_specs=[x_spec, w_spec, deg_spec],
        out_specs=[x_spec, v_spec],
        out_shape=[
            jax.ShapeDtypeStruct((npad, D), jnp.float32),
            jax.ShapeDtypeStruct((npad, 1), jnp.float32),
        ],
    )(x_pad, W1, deg3)

    agg = _make_agg_kernel(npad2, nch, ch)
    s1 = agg(g1, src_a, dst_a)

    g2 = pl.pallas_call(
        _mid_body,
        grid=grid,
        in_specs=[s_spec, x_spec, v_spec, b_spec, w_spec],
        out_specs=x_spec,
        out_shape=jax.ShapeDtypeStruct((npad, D), jnp.float32),
    )(s1, g1, dinv, b1r, W2)

    s2 = agg(g2, src_a, dst_a)

    out = pl.pallas_call(
        _final_body,
        grid=grid,
        in_specs=[s_spec, x_spec, v_spec, b_spec],
        out_specs=x_spec,
        out_shape=jax.ShapeDtypeStruct((npad, D), jnp.float32),
    )(s2, g2, dinv, b2r)

    return out[:n]

# --- scband reference (transcript-rebuilt; emitter-appended) ---
"""Pipeline reference for scband-gnnconv-stack-72353019068691 (READ-ONLY COPY).

The authoritative reference and input builder live on the scoring server;
editing this copy changes nothing except your own understanding.
"""

import jax, jax.numpy as jnp
import numpy as np

N_NODES = 10000
N_EDGES = 320000
D = 128


def gcn_conv(x, edge_index, W, b):
    # Faithful GCNConv (torch_geometric semantics): add self-loops, symmetric
    # normalization D^{-1/2} A D^{-1/2}, linear transform, scatter-add aggregate.
    n = x.shape[0]
    loop = jnp.arange(n, dtype=edge_index.dtype)
    src = jnp.concatenate([edge_index[0], loop])
    dst = jnp.concatenate([edge_index[1], loop])
    h = x @ W
    deg = jax.ops.segment_sum(jnp.ones_like(src, dtype=h.dtype), dst, num_segments=n)
    dinv = jnp.where(deg > 0, jax.lax.rsqrt(jnp.maximum(deg, 1e-12)), 0.0)
    norm = dinv[src] * dinv[dst]
    msg = h[src] * norm[:, None]
    out = jax.ops.segment_sum(msg, dst, num_segments=n)
    return out + b


def setup_inputs(seed: int = 0) -> dict:
    key = jax.random.key(seed)
    k1, k2, k3, k4, k5, k6 = jax.random.split(key, 6)
    x = jax.random.normal(k1, (N_NODES, D), dtype=jnp.float32)
    edge_index = jax.random.randint(k2, (2, N_EDGES), 0, N_NODES)
    # Learned parameters for the 2-block stack (d_in=128 -> ds_hid=[128] -> d_out=128)
    W1 = jax.random.normal(k3, (D, D), dtype=jnp.float32) * 0.05
    b1 = jax.random.normal(k4, (D,), dtype=jnp.float32) * 0.05
    W2 = jax.random.normal(k5, (D, D), dtype=jnp.float32) * 0.05
    b2 = jax.random.normal(k6, (D,), dtype=jnp.float32) * 0.05
    return {"x": x, "edge_index": edge_index, "W1": W1, "b1": b1, "W2": W2, "b2": b2}


def reference(x, edge_index, W1, b1, W2, b2):
    # Block 0: conv -> relu -> dropout(p=0.0, eval -> identity)
    h = gcn_conv(x, edge_index, W1, b1)
    h = jax.nn.relu(h)
    # Block 1 (raw_last=True): conv only, no activation/dropout
    out = gcn_conv(h, edge_index, W2, b2)
    return out

if __name__ == "__main__":
    import jax
    _d = setup_inputs()
    print(jax.jit(kernel)(*tuple(_d.values())))

</pallas_src>

<mosaic_0001>
#map = affine_map<(d0, d1) -> (0, 0)>
#map1 = affine_map<(d0, d1) -> (0, 0, 0)>
module attributes {stable_mosaic.version = 14 : i64} {
  func.func @agg_kernel(%arg0: i32, %arg1: i32, %arg2: memref<10240x128xf32, #tpu.memory_space<hbm>>, %arg3: memref<16x158x128xi32, #tpu.memory_space<hbm>>, %arg4: memref<16x158x128xi32, #tpu.memory_space<hbm>>, %arg5: memref<2x5120x128xf32, #tpu.memory_space<hbm>>, %arg6: memref<158x128xi32, #tpu.memory_space<vmem>>, %arg7: memref<158x128xi32, #tpu.memory_space<vmem>>, %arg8: memref<128x128xf32, #tpu.memory_space<vmem>>, %arg9: memref<128x128xf32, #tpu.memory_space<vmem>>, %arg10: memref<5184x128xf32, #tpu.memory_space<vmem_shared>>, %arg11: memref<!tpu.dma_semaphore, #tpu.memory_space<semaphore_mem>>, %arg12: memref<!tpu.dma_semaphore, #tpu.memory_space<semaphore_mem>>) attributes {dimension_semantics = [#tpu.dimension_semantics<core_parallel>, #tpu.dimension_semantics<subcore_parallel>], iteration_bounds = array<i64: 2, 16>, scalar_prefetch = 0 : i64, scratch_operands = 7 : i64, tpu.core_type = #tpu.core_type<sc_vector_subcore>, window_params = [{transform_indices = #map}, {transform_indices = #map1}, {transform_indices = #map1}, {transform_indices = #map1}]} {
    %mul3A = arith.constant 5120 : i32
    %mul3A_0 = arith.muli %arg0, %mul3A : i32
    %scan3A = arith.constant 0 : i32
    %scan3A_1 = arith.constant 128 : i32
    %scan3A_2 = arith.addi %scan3A, %scan3A_1 : i32
    %scan3A_3 = arith.constant 1 : i32
    scf.for %scan3A_53 = %scan3A to %scan3A_2 step %scan3A_3  : i32 {
      %mul3A_54 = arith.constant 1 : i32
      %mul3A_55 = arith.muli %scan3A_53, %mul3A_54 : i32
      %add3A_56 = arith.constant 0 : i32
      %add3A_57 = arith.addi %add3A_56, %mul3A_55 : i32
      %scan3A_58 = arith.constant 0 : i32
      %scan3A_59 = arith.constant 8 : i32
      %scan3A_60 = arith.addi %scan3A_58, %scan3A_59 : i32
      %scan3A_61 = arith.constant 1 : i32
      scf.for %scan3A_63 = %scan3A_58 to %scan3A_60 step %scan3A_61  : i32 {
        %mul3A_64 = arith.constant 1 : i32
        %mul3A_65 = arith.muli %scan3A_63, %mul3A_64 : i32
        %add3A_66 = arith.constant 0 : i32
        %add3A_67 = arith.addi %add3A_66, %mul3A_65 : i32
        %broadcast_in_dim3A = arith.constant 0.000000e+00 : f32
        %broadcast_in_dim3A_68 = vector.broadcast %broadcast_in_dim3A : f32 to vector<1x16xf32>
        %mul3A_69 = arith.constant 16 : i32
        %mul3A_70 = arith.muli %add3A_67, %mul3A_69 : i32
        %swap3A = arith.index_cast %add3A_57 : i32 to index
        %swap3A_71 = arith.index_cast %mul3A_70 : i32 to index
        %swap3A_72 = tpu.vector_load %arg8[%swap3A, %swap3A_71] {strides = array<i32>} : memref<128x128xf32, #tpu.memory_space<vmem>>, vector<1x16xf32>,
        %swap3A_73 = vector.shape_cast %swap3A_72 : vector<1x16xf32> to vector<1x16xf32>
        %swap3A_74 = vector.shape_cast %broadcast_in_dim3A_68 : vector<1x16xf32> to vector<1x16xf32>
        tpu.vector_store %arg8[%swap3A, %swap3A_71], %swap3A_74 {strides = array<i32>} : memref<128x128xf32, #tpu.memory_space<vmem>>, vector<1x16xf32>,
      }
      %scan3A_62 = arith.constant 8 : i32
    }
    %scan3A_4 = arith.constant 128 : i32
    %scan3A_5 = arith.constant 0 : i32
    %scan3A_6 = arith.constant 2 : i32
    %scan3A_7 = arith.addi %scan3A_5, %scan3A_6 : i32
    %scan3A_8 = arith.constant 1 : i32
    scf.for %scan3A_53 = %scan3A_5 to %scan3A_7 step %scan3A_8  : i32 {
      %mul3A_54 = arith.constant 1 : i32
      %mul3A_55 = arith.muli %scan3A_53, %mul3A_54 : i32
      %add3A_56 = arith.constant 0 : i32
      %add3A_57 = arith.addi %add3A_56, %mul3A_55 : i32
      %mul3A_58 = arith.constant 320 : i32
      %mul3A_59 = arith.muli %arg1, %mul3A_58 : i32
      %mul3A_60 = arith.constant 128 : i32
      %mul3A_61 = arith.muli %add3A_57, %mul3A_60 : i32
      %add3A_62 = arith.addi %mul3A_59, %mul3A_61 : i32
      "tpu.region"() ({
        %run_scoped3A_63 = tpu.sem_alloc : memref<!tpu.dma_semaphore, #tpu.memory_space<semaphore_mem>>
        %dma_start3A_64 = arith.constant 0 : i32
        %dma_start3A_65 = tpu.memref_slice %arg10[%add3A_62, %dma_start3A_64] : memref<5184x128xf32, #tpu.memory_space<vmem_shared>> -> memref<128x128xf32, #tpu.memory_space<vmem_shared>>
        %dma_start3A_66 = arith.constant 0 : i32
        %dma_start3A_67 = tpu.memref_slice %arg10[%add3A_62, %dma_start3A_66] : memref<5184x128xf32, #tpu.memory_space<vmem_shared>> -> memref<128x128xf32, #tpu.memory_space<vmem_shared>>
        tpu.enqueue_dma source(%arg8 : memref<128x128xf32, #tpu.memory_space<vmem>>) target(%dma_start3A_67 : memref<128x128xf32, #tpu.memory_space<vmem_shared>>) target_semaphore(%run_scoped3A_63 : memref<!tpu.dma_semaphore, #tpu.memory_space<semaphore_mem>>)
        %dma_wait3A_68 = arith.constant 0 : i32
        %dma_wait3A_69 = tpu.memref_slice %arg10[%add3A_62, %dma_wait3A_68] : memref<5184x128xf32, #tpu.memory_space<vmem_shared>> -> memref<128x128xf32, #tpu.memory_space<vmem_shared>>
        %dma_wait3A_70 = arith.constant 0 : i32
        %dma_wait3A_71 = tpu.memref_slice %arg10[%add3A_62, %dma_wait3A_70] : memref<5184x128xf32, #tpu.memory_space<vmem_shared>> -> memref<128x128xf32, #tpu.memory_space<vmem_shared>>
        tpu.wait_dma2 semaphore(%run_scoped3A_63 : memref<!tpu.dma_semaphore, #tpu.memory_space<semaphore_mem>>) src(%arg8 : memref<128x128xf32, #tpu.memory_space<vmem>>) dst(%dma_wait3A_71 : memref<128x128xf32, #tpu.memory_space<vmem_shared>>)
        tpu.yield
      }) : () -> ()
    }
    %scan3A_9 = arith.constant 2 : i32
    %mul3A_10 = arith.constant 320 : i32
    %mul3A_11 = arith.muli %arg1, %mul3A_10 : i32
    %add3A = arith.constant 256 : i32
    %add3A_12 = arith.addi %mul3A_11, %add3A : i32
    "tpu.region"() ({
      %run_scoped3A_53 = tpu.sem_alloc : memref<!tpu.dma_semaphore, #tpu.memory_space<semaphore_mem>>
      %dma_start3A_54 = arith.constant 0 : i32
      %dma_start3A_55 = arith.constant 0 : i32
      %dma_start3A_56 = tpu.memref_slice %arg8[%dma_start3A_54, %dma_start3A_55] : memref<128x128xf32, #tpu.memory_space<vmem>> -> memref<64x128xf32, #tpu.memory_space<vmem>>
      %dma_start3A_57 = arith.constant 0 : i32
      %dma_start3A_58 = tpu.memref_slice %arg10[%add3A_12, %dma_start3A_57] : memref<5184x128xf32, #tpu.memory_space<vmem_shared>> -> memref<64x128xf32, #tpu.memory_space<vmem_shared>>
      %dma_start3A_59 = arith.constant 0 : i32
      %dma_start3A_60 = tpu.memref_slice %arg10[%add3A_12, %dma_start3A_59] : memref<5184x128xf32, #tpu.memory_space<vmem_shared>> -> memref<64x128xf32, #tpu.memory_space<vmem_shared>>
      %dma_start3A_61 = arith.constant 0 : i32
      %dma_start3A_62 = arith.constant 0 : i32
      %dma_start3A_63 = tpu.memref_slice %arg8[%dma_start3A_61, %dma_start3A_62] : memref<128x128xf32, #tpu.memory_space<vmem>> -> memref<64x128xf32, #tpu.memory_space<vmem>>
      tpu.enqueue_dma source(%dma_start3A_63 : memref<64x128xf32, #tpu.memory_space<vmem>>) target(%dma_start3A_60 : memref<64x128xf32, #tpu.memory_space<vmem_shared>>) target_semaphore(%run_scoped3A_53 : memref<!tpu.dma_semaphore, #tpu.memory_space<semaphore_mem>>)
      %dma_wait3A_64 = arith.constant 0 : i32
      %dma_wait3A_65 = arith.constant 0 : i32
      %dma_wait3A_66 = tpu.memref_slice %arg8[%dma_wait3A_64, %dma_wait3A_65] : memref<128x128xf32, #tpu.memory_space<vmem>> -> memref<64x128xf32, #tpu.memory_space<vmem>>
      %dma_wait3A_67 = arith.constant 0 : i32
      %dma_wait3A_68 = tpu.memref_slice %arg10[%add3A_12, %dma_wait3A_67] : memref<5184x128xf32, #tpu.memory_space<vmem_shared>> -> memref<64x128xf32, #tpu.memory_space<vmem_shared>>
      %dma_wait3A_69 = arith.constant 0 : i32
      %dma_wait3A_70 = tpu.memref_slice %arg10[%add3A_12, %dma_wait3A_69] : memref<5184x128xf32, #tpu.memory_space<vmem_shared>> -> memref<64x128xf32, #tpu.memory_space<vmem_shared>>
      %dma_wait3A_71 = arith.constant 0 : i32
      %dma_wait3A_72 = arith.constant 0 : i32
      %dma_wait3A_73 = tpu.memref_slice %arg8[%dma_wait3A_71, %dma_wait3A_72] : memref<128x128xf32, #tpu.memory_space<vmem>> -> memref<64x128xf32, #tpu.memory_space<vmem>>
      tpu.wait_dma2 semaphore(%run_scoped3A_53 : memref<!tpu.dma_semaphore, #tpu.memory_space<semaphore_mem>>) src(%dma_wait3A_73 : memref<64x128xf32, #tpu.memory_space<vmem>>) dst(%dma_wait3A_70 : memref<64x128xf32, #tpu.memory_space<vmem_shared>>)
      tpu.yield
    }) : () -> ()
    %barrier3A = arith.constant 0 : index
    tpu.barrier barrier_id(%barrier3A)
    "tpu.region"() ({
      %run_scoped3A_53 = tpu.sem_alloc : memref<!tpu.dma_semaphore, #tpu.memory_space<semaphore_mem>>
      %dma_start3A_54 = arith.constant 0 : i32
      %dma_start3A_55 = arith.constant 0 : i32
      %dma_start3A_56 = tpu.memref_slice %arg3[%arg1, %dma_start3A_54, %dma_start3A_55] : memref<16x158x128xi32, #tpu.memory_space<hbm>> -> memref<1x158x128xi32, #tpu.memory_space<hbm>>
      %dma_start3A_57 = tpu.memref_squeeze %dma_start3A_56 : memref<1x158x128xi32, #tpu.memory_space<hbm>> -> memref<158x128xi32, #tpu.memory_space<hbm>>
      %dma_start3A_58 = arith.constant 0 : i32
      %dma_start3A_59 = arith.constant 0 : i32
      %dma_start3A_60 = tpu.memref_slice %arg3[%arg1, %dma_start3A_58, %dma_start3A_59] : memref<16x158x128xi32, #tpu.memory_space<hbm>> -> memref<1x158x128xi32, #tpu.memory_space<hbm>>
      %dma_start3A_61 = tpu.memref_squeeze %dma_start3A_60 : memref<1x158x128xi32, #tpu.memory_space<hbm>> -> memref<158x128xi32, #tpu.memory_space<hbm>>
      tpu.enqueue_dma source(%dma_start3A_61 : memref<158x128xi32, #tpu.memory_space<hbm>>) target(%arg6 : memref<158x128xi32, #tpu.memory_space<vmem>>) target_semaphore(%run_scoped3A_53 : memref<!tpu.dma_semaphore, #tpu.memory_space<semaphore_mem>>)
      %dma_wait3A_62 = arith.constant 0 : i32
      %dma_wait3A_63 = arith.constant 0 : i32
      %dma_wait3A_64 = tpu.memref_slice %arg3[%arg1, %dma_wait3A_62, %dma_wait3A_63] : memref<16x158x128xi32, #tpu.memory_space<hbm>> -> memref<1x158x128xi32, #tpu.memory_space<hbm>>
      %dma_wait3A_65 = tpu.memref_squeeze %dma_wait3A_64 : memref<1x158x128xi32, #tpu.memory_space<hbm>> -> memref<158x128xi32, #tpu.memory_space<hbm>>
      %dma_wait3A_66 = arith.constant 0 : i32
      %dma_wait3A_67 = arith.constant 0 : i32
      %dma_wait3A_68 = tpu.memref_slice %arg3[%arg1, %dma_wait3A_66, %dma_wait3A_67] : memref<16x158x128xi32, #tpu.memory_space<hbm>> -> memref<1x158x128xi32, #tpu.memory_space<hbm>>
      %dma_wait3A_69 = tpu.memref_squeeze %dma_wait3A_68 : memref<1x158x128xi32, #tpu.memory_space<hbm>> -> memref<158x128xi32, #tpu.memory_space<hbm>>
      tpu.wait_dma2 semaphore(%run_scoped3A_53 : memref<!tpu.dma_semaphore, #tpu.memory_space<semaphore_mem>>) src(%dma_wait3A_69 : memref<158x128xi32, #tpu.memory_space<hbm>>) dst(%arg6 : memref<158x128xi32, #tpu.memory_space<vmem>>)
      tpu.yield
    }) : () -> ()
    "tpu.region"() ({
      %run_scoped3A_53 = tpu.sem_alloc : memref<!tpu.dma_semaphore, #tpu.memory_space<semaphore_mem>>
      %dma_start3A_54 = arith.constant 0 : i32
      %dma_start3A_55 = arith.constant 0 : i32
      %dma_start3A_56 = tpu.memref_slice %arg4[%arg1, %dma_start3A_54, %dma_start3A_55] : memref<16x158x128xi32, #tpu.memory_space<hbm>> -> memref<1x158x128xi32, #tpu.memory_space<hbm>>
      %dma_start3A_57 = tpu.memref_squeeze %dma_start3A_56 : memref<1x158x128xi32, #tpu.memory_space<hbm>> -> memref<158x128xi32, #tpu.memory_space<hbm>>
      %dma_start3A_58 = arith.constant 0 : i32
      %dma_start3A_59 = arith.constant 0 : i32
      %dma_start3A_60 = tpu.memref_slice %arg4[%arg1, %dma_start3A_58, %dma_start3A_59] : memref<16x158x128xi32, #tpu.memory_space<hbm>> -> memref<1x158x128xi32, #tpu.memory_space<hbm>>
      %dma_start3A_61 = tpu.memref_squeeze %dma_start3A_60 : memref<1x158x128xi32, #tpu.memory_space<hbm>> -> memref<158x128xi32, #tpu.memory_space<hbm>>
      tpu.enqueue_dma source(%dma_start3A_61 : memref<158x128xi32, #tpu.memory_space<hbm>>) target(%arg7 : memref<158x128xi32, #tpu.memory_space<vmem>>) target_semaphore(%run_scoped3A_53 : memref<!tpu.dma_semaphore, #tpu.memory_space<semaphore_mem>>)
      %dma_wait3A_62 = arith.constant 0 : i32
      %dma_wait3A_63 = arith.constant 0 : i32
      %dma_wait3A_64 = tpu.memref_slice %arg4[%arg1, %dma_wait3A_62, %dma_wait3A_63] : memref<16x158x128xi32, #tpu.memory_space<hbm>> -> memref<1x158x128xi32, #tpu.memory_space<hbm>>
      %dma_wait3A_65 = tpu.memref_squeeze %dma_wait3A_64 : memref<1x158x128xi32, #tpu.memory_space<hbm>> -> memref<158x128xi32, #tpu.memory_space<hbm>>
      %dma_wait3A_66 = arith.constant 0 : i32
      %dma_wait3A_67 = arith.constant 0 : i32
      %dma_wait3A_68 = tpu.memref_slice %arg4[%arg1, %dma_wait3A_66, %dma_wait3A_67] : memref<16x158x128xi32, #tpu.memory_space<hbm>> -> memref<1x158x128xi32, #tpu.memory_space<hbm>>
      %dma_wait3A_69 = tpu.memref_squeeze %dma_wait3A_68 : memref<1x158x128xi32, #tpu.memory_space<hbm>> -> memref<158x128xi32, #tpu.memory_space<hbm>>
      tpu.wait_dma2 semaphore(%run_scoped3A_53 : memref<!tpu.dma_semaphore, #tpu.memory_space<semaphore_mem>>) src(%dma_wait3A_69 : memref<158x128xi32, #tpu.memory_space<hbm>>) dst(%arg7 : memref<158x128xi32, #tpu.memory_space<vmem>>)
      tpu.yield
    }) : () -> ()
    %scan3A_13 = arith.constant 0 : i32
    %scan3A_14 = arith.constant 158 : i32
    %scan3A_15 = arith.addi %scan3A_13, %scan3A_14 : i32
    %scan3A_16 = arith.constant 1 : i32
    scf.for %scan3A_53 = %scan3A_13 to %scan3A_15 step %scan3A_16  : i32 {
      %mul3A_54 = arith.constant 1 : i32
      %mul3A_55 = arith.muli %scan3A_53, %mul3A_54 : i32
      %add3A_56 = arith.constant 0 : i32
      %add3A_57 = arith.addi %add3A_56, %mul3A_55 : i32
      %scan3A_58 = arith.constant 0 : i32
      %scan3A_59 = arith.constant 8 : i32
      %scan3A_60 = arith.addi %scan3A_58, %scan3A_59 : i32
      %scan3A_61 = arith.constant 1 : i32
      scf.for %scan3A_63 = %scan3A_58 to %scan3A_60 step %scan3A_61  : i32 {
        %mul3A_64 = arith.constant 1 : i32
        %mul3A_65 = arith.muli %scan3A_63, %mul3A_64 : i32
        %add3A_66 = arith.constant 0 : i32
        %add3A_67 = arith.addi %add3A_66, %mul3A_65 : i32
        %mul3A_68 = arith.constant 16 : i32
        %mul3A_69 = arith.muli %add3A_67, %mul3A_68 : i32
        %get3A = arith.index_cast %add3A_57 : i32 to index
        %get3A_70 = arith.index_cast %mul3A_69 : i32 to index
        %get3A_71 = tpu.vector_load %arg7[%get3A, %get3A_70] {strides = array<i32>} : memref<158x128xi32, #tpu.memory_space<vmem>>, vector<1x16xi32>,
        %get3A_72 = vector.shape_cast %get3A_71 : vector<1x16xi32> to vector<16xi32>
        %ge3A = vector.broadcast %mul3A_0 : i32 to vector<16xi32>
        %ge3A_73 = arith.cmpi sge, %get3A_72, %ge3A : vector<16xi32>
        %add3A_74 = arith.constant 5120 : i32
        %add3A_75 = arith.addi %mul3A_0, %add3A_74 : i32
        %lt3A = vector.broadcast %add3A_75 : i32 to vector<16xi32>
        %lt3A_76 = arith.cmpi slt, %get3A_72, %lt3A : vector<16xi32>
        %and3A = arith.andi %ge3A_73, %lt3A_76 : vector<16xi1>
        %and3A_77 = arith.constant 63 : i32
        %and3A_78 = vector.broadcast %and3A_77 : i32 to vector<16xi32>
        %and3A_79 = arith.andi %get3A_72, %and3A_78 : vector<16xi32>
        %add3A_80 = arith.constant 5120 : i32
        %add3A_81 = vector.broadcast %add3A_80 : i32 to vector<16xi32>
        %add3A_82 = arith.addi %add3A_81, %and3A_79 : vector<16xi32>
        %sub3A = vector.broadcast %mul3A_0 : i32 to vector<16xi32>
        %sub3A_83 = arith.subi %get3A_72, %sub3A : vector<16xi32>
        %select_n3A = arith.select %and3A, %sub3A_83, %add3A_82 : vector<16xi1>, vector<16xi32>
        %mul3A_84 = arith.constant 16 : i32
        %mul3A_85 = arith.muli %add3A_67, %mul3A_84 : i32
        %swap3A = arith.index_cast %add3A_57 : i32 to index
        %swap3A_86 = arith.index_cast %mul3A_85 : i32 to index
        %swap3A_87 = tpu.vector_load %arg7[%swap3A, %swap3A_86] {strides = array<i32>} : memref<158x128xi32, #tpu.memory_space<vmem>>, vector<1x16xi32>,
        %swap3A_88 = vector.shape_cast %swap3A_87 : vector<1x16xi32> to vector<16xi32>
        %swap3A_89 = vector.shape_cast %select_n3A : vector<16xi32> to vector<1x16xi32>
        tpu.vector_store %arg7[%swap3A, %swap3A_86], %swap3A_89 {strides = array<i32>} : memref<158x128xi32, #tpu.memory_space<vmem>>, vector<1x16xi32>,
      }
      %scan3A_62 = arith.constant 8 : i32
    }
    %scan3A_17 = arith.constant 158 : i32
    %dma_start3A = arith.constant 0 : i32
    %dma_start3A_18 = arith.constant 0 : i32
    %dma_start3A_19 = tpu.memref_slice %arg6[%dma_start3A, %dma_start3A_18] : memref<158x128xi32, #tpu.memory_space<vmem>> -> memref<1x128xi32, #tpu.memory_space<vmem>>
    %dma_start3A_20 = tpu.memref_squeeze %dma_start3A_19 : memref<1x128xi32, #tpu.memory_space<vmem>> -> memref<128xi32, #tpu.memory_space<vmem>>
    %dma_start3A_21 = arith.constant 0 : i32
    %dma_start3A_22 = arith.constant 0 : i32
    %dma_start3A_23 = tpu.memref_slice %arg2[%dma_start3A_21, %dma_start3A_22] : memref<10240x128xf32, #tpu.memory_space<hbm>> -> memref<10240x128xf32, #tpu.memory_space<hbm>>
    tpu.enqueue_indirect_dma source(%dma_start3A_23 : memref<10240x128xf32, #tpu.memory_space<hbm>>) target(%arg8 : memref<128x128xf32, #tpu.memory_space<vmem>>) offsets(%dma_start3A_20 : memref<128xi32, #tpu.memory_space<vmem>>) semaphore(%arg11 : memref<!tpu.dma_semaphore, #tpu.memory_space<semaphore_mem>>)
    %scan3A_24 = arith.constant 0 : i32
    %scan3A_25 = arith.constant 78 : i32
    %scan3A_26 = arith.addi %scan3A_24, %scan3A_25 : i32
    %scan3A_27 = arith.constant 1 : i32
    scf.for %scan3A_53 = %scan3A_24 to %scan3A_26 step %scan3A_27  : i32 {
      %mul3A_54 = arith.constant 1 : i32
      %mul3A_55 = arith.muli %scan3A_53, %mul3A_54 : i32
      %add3A_56 = arith.constant 0 : i32
      %add3A_57 = arith.addi %add3A_56, %mul3A_55 : i32
      %mul3A_58 = arith.constant 2 : i32
      %mul3A_59 = arith.muli %add3A_57, %mul3A_58 : i32
      %dma_wait3A_60 = arith.constant 0 : i32
      %dma_wait3A_61 = arith.constant 0 : i32
      %dma_wait3A_62 = tpu.memref_slice %arg2[%dma_wait3A_60, %dma_wait3A_61] : memref<10240x128xf32, #tpu.memory_space<hbm>> -> memref<128x128xf32, #tpu.memory_space<hbm>>
      %dma_wait3A_63 = arith.constant 0 : i32
      %dma_wait3A_64 = arith.constant 0 : i32
      %dma_wait3A_65 = tpu.memref_slice %arg2[%dma_wait3A_63, %dma_wait3A_64] : memref<10240x128xf32, #tpu.memory_space<hbm>> -> memref<128x128xf32, #tpu.memory_space<hbm>>
      tpu.wait_dma2 semaphore(%arg11 : memref<!tpu.dma_semaphore, #tpu.memory_space<semaphore_mem>>) src(%dma_wait3A_65 : memref<128x128xf32, #tpu.memory_space<hbm>>) dst(%arg8 : memref<128x128xf32, #tpu.memory_space<vmem>>)
      %add3A_66 = arith.constant 1 : i32
      %add3A_67 = arith.addi %mul3A_59, %add3A_66 : i32
      %dma_start3A_68 = arith.constant 0 : i32
      %dma_start3A_69 = tpu.memref_slice %arg6[%add3A_67, %dma_start3A_68] : memref<158x128xi32, #tpu.memory_space<vmem>> -> memref<1x128xi32, #tpu.memory_space<vmem>>
      %dma_start3A_70 = tpu.memref_squeeze %dma_start3A_69 : memref<1x128xi32, #tpu.memory_space<vmem>> -> memref<128xi32, #tpu.memory_space<vmem>>
      %dma_start3A_71 = arith.constant 0 : i32
      %dma_start3A_72 = arith.constant 0 : i32
      %dma_start3A_73 = tpu.memref_slice %arg2[%dma_start3A_71, %dma_start3A_72] : memref<10240x128xf32, #tpu.memory_space<hbm>> -> memref<10240x128xf32, #tpu.memory_space<hbm>>
      tpu.enqueue_indirect_dma source(%dma_start3A_73 : memref<10240x128xf32, #tpu.memory_space<hbm>>) target(%arg9 : memref<128x128xf32, #tpu.memory_space<vmem>>) offsets(%dma_start3A_70 : memref<128xi32, #tpu.memory_space<vmem>>) semaphore(%arg12 : memref<!tpu.dma_semaphore, #tpu.memory_space<semaphore_mem>>)
      "tpu.region"() ({
        %run_scoped3A_90 = tpu.sem_alloc : memref<!tpu.dma_semaphore, #tpu.memory_space<semaphore_mem>>
        %dma_start3A_91 = arith.constant 0 : i32
        %dma_start3A_92 = tpu.memref_slice %arg7[%mul3A_59, %dma_start3A_91] : memref<158x128xi32, #tpu.memory_space<vmem>> -> memref<1x128xi32, #tpu.memory_space<vmem>>
        %dma_start3A_93 = tpu.memref_squeeze %dma_start3A_92 : memref<1x128xi32, #tpu.memory_space<vmem>> -> memref<128xi32, #tpu.memory_space<vmem>>
        %dma_start3A_94 = arith.constant 0 : i32
        %dma_start3A_95 = arith.constant 0 : i32
        %dma_start3A_96 = tpu.memref_slice %arg10[%dma_start3A_94, %dma_start3A_95] : memref<5184x128xf32, #tpu.memory_space<vmem_shared>> -> memref<5184x128xf32, #tpu.memory_space<vmem_shared>>
        tpu.enqueue_indirect_dma source(%arg8 : memref<128x128xf32, #tpu.memory_space<vmem>>) target(%dma_start3A_96 : memref<5184x128xf32, #tpu.memory_space<vmem_shared>>) offsets(%dma_start3A_93 : memref<128xi32, #tpu.memory_space<vmem>>) semaphore(%run_scoped3A_90 : memref<!tpu.dma_semaphore, #tpu.memory_space<semaphore_mem>>) {add = true}
        %dma_wait3A_97 = arith.constant 0 : i32
        %dma_wait3A_98 = tpu.memref_slice %arg7[%mul3A_59, %dma_wait3A_97] : memref<158x128xi32, #tpu.memory_space<vmem>> -> memref<1x128xi32, #tpu.memory_space<vmem>>
        %dma_wait3A_99 = tpu.memref_squeeze %dma_wait3A_98 : memref<1x128xi32, #tpu.memory_space<vmem>> -> memref<128xi32, #tpu.memory_space<vmem>>
        %dma_wait3A_100 = arith.constant 0 : i32
        %dma_wait3A_101 = arith.constant 0 : i32
        %dma_wait3A_102 = tpu.memref_slice %arg10[%dma_wait3A_100, %dma_wait3A_101] : memref<5184x128xf32, #tpu.memory_space<vmem_shared>> -> memref<5184x128xf32, #tpu.memory_space<vmem_shared>>
        tpu.wait_indirect_dma semaphore(%run_scoped3A_90 : memref<!tpu.dma_semaphore, #tpu.memory_space<semaphore_mem>>) src(%arg8 : memref<128x128xf32, #tpu.memory_space<vmem>>) dst(%dma_wait3A_102 : memref<5184x128xf32, #tpu.memory_space<vmem_shared>>)
        tpu.yield
      }) : () -> ()
      %dma_wait3A_74 = arith.constant 0 : i32
      %dma_wait3A_75 = arith.constant 0 : i32
      %dma_wait3A_76 = tpu.memref_slice %arg2[%dma_wait3A_74, %dma_wait3A_75] : memref<10240x128xf32, #tpu.memory_space<hbm>> -> memref<128x128xf32, #tpu.memory_space<hbm>>
      %dma_wait3A_77 = arith.constant 0 : i32
      %dma_wait3A_78 = arith.constant 0 : i32
      %dma_wait3A_79 = tpu.memref_slice %arg2[%dma_wait3A_77, %dma_wait3A_78] : memref<10240x128xf32, #tpu.memory_space<hbm>> -> memref<128x128xf32, #tpu.memory_space<hbm>>
      tpu.wait_dma2 semaphore(%arg12 : memref<!tpu.dma_semaphore, #tpu.memory_space<semaphore_mem>>) src(%dma_wait3A_79 : memref<128x128xf32, #tpu.memory_space<hbm>>) dst(%arg9 : memref<128x128xf32, #tpu.memory_space<vmem>>)
      %add3A_80 = arith.constant 2 : i32
      %add3A_81 = arith.addi %mul3A_59, %add3A_80 : i32
      %dma_start3A_82 = arith.constant 0 : i32
      %dma_start3A_83 = tpu.memref_slice %arg6[%add3A_81, %dma_start3A_82] : memref<158x128xi32, #tpu.memory_space<vmem>> -> memref<1x128xi32, #tpu.memory_space<vmem>>
      %dma_start3A_84 = tpu.memref_squeeze %dma_start3A_83 : memref<1x128xi32, #tpu.memory_space<vmem>> -> memref<128xi32, #tpu.memory_space<vmem>>
      %dma_start3A_85 = arith.constant 0 : i32
      %dma_start3A_86 = arith.constant 0 : i32
      %dma_start3A_87 = tpu.memref_slice %arg2[%dma_start3A_85, %dma_start3A_86] : memref<10240x128xf32, #tpu.memory_space<hbm>> -> memref<10240x128xf32, #tpu.memory_space<hbm>>
      tpu.enqueue_indirect_dma source(%dma_start3A_87 : memref<10240x128xf32, #tpu.memory_space<hbm>>) target(%arg8 : memref<128x128xf32, #tpu.memory_space<vmem>>) offsets(%dma_start3A_84 : memref<128xi32, #tpu.memory_space<vmem>>) semaphore(%arg11 : memref<!tpu.dma_semaphore, #tpu.memory_space<semaphore_mem>>)
      %add3A_88 = arith.constant 1 : i32
      %add3A_89 = arith.addi %mul3A_59, %add3A_88 : i32
      "tpu.region"() ({
        %run_scoped3A_90 = tpu.sem_alloc : memref<!tpu.dma_semaphore, #tpu.memory_space<semaphore_mem>>
        %dma_start3A_91 = arith.constant 0 : i32
        %dma_start3A_92 = tpu.memref_slice %arg7[%add3A_89, %dma_start3A_91] : memref<158x128xi32, #tpu.memory_space<vmem>> -> memref<1x128xi32, #tpu.memory_space<vmem>>
        %dma_start3A_93 = tpu.memref_squeeze %dma_start3A_92 : memref<1x128xi32, #tpu.memory_space<vmem>> -> memref<128xi32, #tpu.memory_space<vmem>>
        %dma_start3A_94 = arith.constant 0 : i32
        %dma_start3A_95 = arith.constant 0 : i32
        %dma_start3A_96 = tpu.memref_slice %arg10[%dma_start3A_94, %dma_start3A_95] : memref<5184x128xf32, #tpu.memory_space<vmem_shared>> -> memref<5184x128xf32, #tpu.memory_space<vmem_shared>>
        tpu.enqueue_indirect_dma source(%arg9 : memref<128x128xf32, #tpu.memory_space<vmem>>) target(%dma_start3A_96 : memref<5184x128xf32, #tpu.memory_space<vmem_shared>>) offsets(%dma_start3A_93 : memref<128xi32, #tpu.memory_space<vmem>>) semaphore(%run_scoped3A_90 : memref<!tpu.dma_semaphore, #tpu.memory_space<semaphore_mem>>) {add = true}
        %dma_wait3A_97 = arith.constant 0 : i32
        %dma_wait3A_98 = tpu.memref_slice %arg7[%add3A_89, %dma_wait3A_97] : memref<158x128xi32, #tpu.memory_space<vmem>> -> memref<1x128xi32, #tpu.memory_space<vmem>>
        %dma_wait3A_99 = tpu.memref_squeeze %dma_wait3A_98 : memref<1x128xi32, #tpu.memory_space<vmem>> -> memref<128xi32, #tpu.memory_space<vmem>>
        %dma_wait3A_100 = arith.constant 0 : i32
        %dma_wait3A_101 = arith.constant 0 : i32
        %dma_wait3A_102 = tpu.memref_slice %arg10[%dma_wait3A_100, %dma_wait3A_101] : memref<5184x128xf32, #tpu.memory_space<vmem_shared>> -> memref<5184x128xf32, #tpu.memory_space<vmem_shared>>
        tpu.wait_indirect_dma semaphore(%run_scoped3A_90 : memref<!tpu.dma_semaphore, #tpu.memory_space<semaphore_mem>>) src(%arg9 : memref<128x128xf32, #tpu.memory_space<vmem>>) dst(%dma_wait3A_102 : memref<5184x128xf32, #tpu.memory_space<vmem_shared>>)
        tpu.yield
      }) : () -> ()
    }
    %scan3A_28 = arith.constant 78 : i32
    %dma_wait3A = arith.constant 0 : i32
    %dma_wait3A_29 = arith.constant 0 : i32
    %dma_wait3A_30 = tpu.memref_slice %arg2[%dma_wait3A, %dma_wait3A_29] : memref<10240x128xf32, #tpu.memory_space<hbm>> -> memref<128x128xf32, #tpu.memory_space<hbm>>
    %dma_wait3A_31 = arith.constant 0 : i32
    %dma_wait3A_32 = arith.constant 0 : i32
    %dma_wait3A_33 = tpu.memref_slice %arg2[%dma_wait3A_31, %dma_wait3A_32] : memref<10240x128xf32, #tpu.memory_space<hbm>> -> memref<128x128xf32, #tpu.memory_space<hbm>>
    tpu.wait_dma2 semaphore(%arg11 : memref<!tpu.dma_semaphore, #tpu.memory_space<semaphore_mem>>) src(%dma_wait3A_33 : memref<128x128xf32, #tpu.memory_space<hbm>>) dst(%arg8 : memref<128x128xf32, #tpu.memory_space<vmem>>)
    %dma_start3A_34 = arith.constant 157 : i32
    %dma_start3A_35 = arith.constant 0 : i32
    %dma_start3A_36 = tpu.memref_slice %arg6[%dma_start3A_34, %dma_start3A_35] : memref<158x128xi32, #tpu.memory_space<vmem>> -> memref<1x128xi32, #tpu.memory_space<vmem>>
    %dma_start3A_37 = tpu.memref_squeeze %dma_start3A_36 : memref<1x128xi32, #tpu.memory_space<vmem>> -> memref<128xi32, #tpu.memory_space<vmem>>
    %dma_start3A_38 = arith.constant 0 : i32
    %dma_start3A_39 = arith.constant 0 : i32
    %dma_start3A_40 = tpu.memref_slice %arg2[%dma_start3A_38, %dma_start3A_39] : memref<10240x128xf32, #tpu.memory_space<hbm>> -> memref<10240x128xf32, #tpu.memory_space<hbm>>
    tpu.enqueue_indirect_dma source(%dma_start3A_40 : memref<10240x128xf32, #tpu.memory_space<hbm>>) target(%arg9 : memref<128x128xf32, #tpu.memory_space<vmem>>) offsets(%dma_start3A_37 : memref<128xi32, #tpu.memory_space<vmem>>) semaphore(%arg12 : memref<!tpu.dma_semaphore, #tpu.memory_space<semaphore_mem>>)
    %run_scoped3A = arith.constant 156 : i32
    "tpu.region"() ({
      %run_scoped3A_53 = tpu.sem_alloc : memref<!tpu.dma_semaphore, #tpu.memory_space<semaphore_mem>>
      %dma_start3A_54 = arith.constant 0 : i32
      %dma_start3A_55 = tpu.memref_slice %arg7[%run_scoped3A, %dma_start3A_54] : memref<158x128xi32, #tpu.memory_space<vmem>> -> memref<1x128xi32, #tpu.memory_space<vmem>>
      %dma_start3A_56 = tpu.memref_squeeze %dma_start3A_55 : memref<1x128xi32, #tpu.memory_space<vmem>> -> memref<128xi32, #tpu.memory_space<vmem>>
      %dma_start3A_57 = arith.constant 0 : i32
      %dma_start3A_58 = arith.constant 0 : i32
      %dma_start3A_59 = tpu.memref_slice %arg10[%dma_start3A_57, %dma_start3A_58] : memref<5184x128xf32, #tpu.memory_space<vmem_shared>> -> memref<5184x128xf32, #tpu.memory_space<vmem_shared>>
      tpu.enqueue_indirect_dma source(%arg8 : memref<128x128xf32, #tpu.memory_space<vmem>>) target(%dma_start3A_59 : memref<5184x128xf32, #tpu.memory_space<vmem_shared>>) offsets(%dma_start3A_56 : memref<128xi32, #tpu.memory_space<vmem>>) semaphore(%run_scoped3A_53 : memref<!tpu.dma_semaphore, #tpu.memory_space<semaphore_mem>>) {add = true}
      %dma_wait3A_60 = arith.constant 0 : i32
      %dma_wait3A_61 = tpu.memref_slice %arg7[%run_scoped3A, %dma_wait3A_60] : memref<158x128xi32, #tpu.memory_space<vmem>> -> memref<1x128xi32, #tpu.memory_space<vmem>>
      %dma_wait3A_62 = tpu.memref_squeeze %dma_wait3A_61 : memref<1x128xi32, #tpu.memory_space<vmem>> -> memref<128xi32, #tpu.memory_space<vmem>>
      %dma_wait3A_63 = arith.constant 0 : i32
      %dma_wait3A_64 = arith.constant 0 : i32
      %dma_wait3A_65 = tpu.memref_slice %arg10[%dma_wait3A_63, %dma_wait3A_64] : memref<5184x128xf32, #tpu.memory_space<vmem_shared>> -> memref<5184x128xf32, #tpu.memory_space<vmem_shared>>
      tpu.wait_indirect_dma semaphore(%run_scoped3A_53 : memref<!tpu.dma_semaphore, #tpu.memory_space<semaphore_mem>>) src(%arg8 : memref<128x128xf32, #tpu.memory_space<vmem>>) dst(%dma_wait3A_65 : memref<5184x128xf32, #tpu.memory_space<vmem_shared>>)
      tpu.yield
    }) : () -> ()
    %dma_wait3A_41 = arith.constant 0 : i32
    %dma_wait3A_42 = arith.constant 0 : i32
    %dma_wait3A_43 = tpu.memref_slice %arg2[%dma_wait3A_41, %dma_wait3A_42] : memref<10240x128xf32, #tpu.memory_space<hbm>> -> memref<128x128xf32, #tpu.memory_space<hbm>>
    %dma_wait3A_44 = arith.constant 0 : i32
    %dma_wait3A_45 = arith.constant 0 : i32
    %dma_wait3A_46 = tpu.memref_slice %arg2[%dma_wait3A_44, %dma_wait3A_45] : memref<10240x128xf32, #tpu.memory_space<hbm>> -> memref<128x128xf32, #tpu.memory_space<hbm>>
    tpu.wait_dma2 semaphore(%arg12 : memref<!tpu.dma_semaphore, #tpu.memory_space<semaphore_mem>>) src(%dma_wait3A_46 : memref<128x128xf32, #tpu.memory_space<hbm>>) dst(%arg9 : memref<128x128xf32, #tpu.memory_space<vmem>>)
    %run_scoped3A_47 = arith.constant 157 : i32
    "tpu.region"() ({
      %run_scoped3A_53 = tpu.sem_alloc : memref<!tpu.dma_semaphore, #tpu.memory_space<semaphore_mem>>
      %dma_start3A_54 = arith.constant 0 : i32
      %dma_start3A_55 = tpu.memref_slice %arg7[%run_scoped3A_47, %dma_start3A_54] : memref<158x128xi32, #tpu.memory_space<vmem>> -> memref<1x128xi32, #tpu.memory_space<vmem>>
      %dma_start3A_56 = tpu.memref_squeeze %dma_start3A_55 : memref<1x128xi32, #tpu.memory_space<vmem>> -> memref<128xi32, #tpu.memory_space<vmem>>
      %dma_start3A_57 = arith.constant 0 : i32
      %dma_start3A_58 = arith.constant 0 : i32
      %dma_start3A_59 = tpu.memref_slice %arg10[%dma_start3A_57, %dma_start3A_58] : memref<5184x128xf32, #tpu.memory_space<vmem_shared>> -> memref<5184x128xf32, #tpu.memory_space<vmem_shared>>
      tpu.enqueue_indirect_dma source(%arg9 : memref<128x128xf32, #tpu.memory_space<vmem>>) target(%dma_start3A_59 : memref<5184x128xf32, #tpu.memory_space<vmem_shared>>) offsets(%dma_start3A_56 : memref<128xi32, #tpu.memory_space<vmem>>) semaphore(%run_scoped3A_53 : memref<!tpu.dma_semaphore, #tpu.memory_space<semaphore_mem>>) {add = true}
      %dma_wait3A_60 = arith.constant 0 : i32
      %dma_wait3A_61 = tpu.memref_slice %arg7[%run_scoped3A_47, %dma_wait3A_60] : memref<158x128xi32, #tpu.memory_space<vmem>> -> memref<1x128xi32, #tpu.memory_space<vmem>>
      %dma_wait3A_62 = tpu.memref_squeeze %dma_wait3A_61 : memref<1x128xi32, #tpu.memory_space<vmem>> -> memref<128xi32, #tpu.memory_space<vmem>>
      %dma_wait3A_63 = arith.constant 0 : i32
      %dma_wait3A_64 = arith.constant 0 : i32
      %dma_wait3A_65 = tpu.memref_slice %arg10[%dma_wait3A_63, %dma_wait3A_64] : memref<5184x128xf32, #tpu.memory_space<vmem_shared>> -> memref<5184x128xf32, #tpu.memory_space<vmem_shared>>
      tpu.wait_indirect_dma semaphore(%run_scoped3A_53 : memref<!tpu.dma_semaphore, #tpu.memory_space<semaphore_mem>>) src(%arg9 : memref<128x128xf32, #tpu.memory_space<vmem>>) dst(%dma_wait3A_65 : memref<5184x128xf32, #tpu.memory_space<vmem_shared>>)
      tpu.yield
    }) : () -> ()
    %barrier3A_48 = arith.constant 0 : index
    tpu.barrier barrier_id(%barrier3A_48)
    %mul3A_49 = arith.constant 320 : i32
    %mul3A_50 = arith.muli %arg1, %mul3A_49 : i32
    %mul3A_51 = arith.constant 320 : i32
    %mul3A_52 = arith.muli %arg1, %mul3A_51 : i32
    "tpu.region"() ({
      %run_scoped3A_53 = tpu.sem_alloc : memref<!tpu.dma_semaphore, #tpu.memory_space<semaphore_mem>>
      %dma_start3A_54 = arith.constant 0 : i32
      %dma_start3A_55 = tpu.memref_slice %arg5[%arg0, %mul3A_52, %dma_start3A_54] : memref<2x5120x128xf32, #tpu.memory_space<hbm>> -> memref<1x320x128xf32, #tpu.memory_space<hbm>>
      %dma_start3A_56 = tpu.memref_squeeze %dma_start3A_55 : memref<1x320x128xf32, #tpu.memory_space<hbm>> -> memref<320x128xf32, #tpu.memory_space<hbm>>
      %dma_start3A_57 = arith.constant 0 : i32
      %dma_start3A_58 = tpu.memref_slice %arg10[%mul3A_50, %dma_start3A_57] : memref<5184x128xf32, #tpu.memory_space<vmem_shared>> -> memref<320x128xf32, #tpu.memory_space<vmem_shared>>
      tpu.enqueue_dma source(%dma_start3A_58 : memref<320x128xf32, #tpu.memory_space<vmem_shared>>) target(%dma_start3A_56 : memref<320x128xf32, #tpu.memory_space<hbm>>) target_semaphore(%run_scoped3A_53 : memref<!tpu.dma_semaphore, #tpu.memory_space<semaphore_mem>>)
      %dma_wait3A_59 = arith.constant 0 : i32
      %dma_wait3A_60 = tpu.memref_slice %arg5[%arg0, %mul3A_52, %dma_wait3A_59] : memref<2x5120x128xf32, #tpu.memory_space<hbm>> -> memref<1x320x128xf32, #tpu.memory_space<hbm>>
      %dma_wait3A_61 = tpu.memref_squeeze %dma_wait3A_60 : memref<1x320x128xf32, #tpu.memory_space<hbm>> -> memref<320x128xf32, #tpu.memory_space<hbm>>
      %dma_wait3A_62 = arith.constant 0 : i32
      %dma_wait3A_63 = tpu.memref_slice %arg10[%mul3A_50, %dma_wait3A_62] : memref<5184x128xf32, #tpu.memory_space<vmem_shared>> -> memref<320x128xf32, #tpu.memory_space<vmem_shared>>
      tpu.wait_dma2 semaphore(%run_scoped3A_53 : memref<!tpu.dma_semaphore, #tpu.memory_space<semaphore_mem>>) src(%dma_wait3A_63 : memref<320x128xf32, #tpu.memory_space<vmem_shared>>) dst(%dma_wait3A_61 : memref<320x128xf32, #tpu.memory_space<hbm>>)
      tpu.yield
    }) : () -> ()
    return
  }
}

#map = affine_map<(d0, d1) -> (0, 0)>
#map1 = affine_map<(d0, d1) -> (0, 0, 0)>
module attributes {stable_mosaic.version = 14 : i64} {
  func.func @agg_kernel(%arg0: i32, %arg1: i32, %arg2: memref<10240x128xf32, #tpu.memory_space<hbm>>, %arg3: memref<16x158x128xi32, #tpu.memory_space<hbm>>, %arg4: memref<16x158x128xi32, #tpu.memory_space<hbm>>, %arg5: memref<2x5120x128xf32, #tpu.memory_space<hbm>>, %arg6: memref<158x128xi32, #tpu.memory_space<vmem>>, %arg7: memref<158x128xi32, #tpu.memory_space<vmem>>, %arg8: memref<128x128xf32, #tpu.memory_space<vmem>>, %arg9: memref<128x128xf32, #tpu.memory_space<vmem>>, %arg10: memref<5184x128xf32, #tpu.memory_space<vmem_shared>>, %arg11: memref<!tpu.dma_semaphore, #tpu.memory_space<semaphore_mem>>, %arg12: memref<!tpu.dma_semaphore, #tpu.memory_space<semaphore_mem>>) attributes {dimension_semantics = [#tpu.dimension_semantics<core_parallel>, #tpu.dimension_semantics<subcore_parallel>], iteration_bounds = array<i64: 2, 16>, scalar_prefetch = 0 : i64, scratch_operands = 7 : i64, tpu.core_type = #tpu.core_type<sc_vector_subcore>, window_params = [{transform_indices = #map}, {transform_indices = #map1}, {transform_indices = #map1}, {transform_indices = #map1}]} {
    %mul3A = arith.constant 5120 : i32
    %mul3A_0 = arith.muli %arg0, %mul3A : i32
    %scan3A = arith.constant 0 : i32
    %scan3A_1 = arith.constant 128 : i32
    %scan3A_2 = arith.addi %scan3A, %scan3A_1 : i32
    %scan3A_3 = arith.constant 1 : i32
    scf.for %scan3A_53 = %scan3A to %scan3A_2 step %scan3A_3  : i32 {
      %mul3A_54 = arith.constant 1 : i32
      %mul3A_55 = arith.muli %scan3A_53, %mul3A_54 : i32
      %add3A_56 = arith.constant 0 : i32
      %add3A_57 = arith.addi %add3A_56, %mul3A_55 : i32
      %scan3A_58 = arith.constant 0 : i32
      %scan3A_59 = arith.constant 8 : i32
      %scan3A_60 = arith.addi %scan3A_58, %scan3A_59 : i32
      %scan3A_61 = arith.constant 1 : i32
      scf.for %scan3A_63 = %scan3A_58 to %scan3A_60 step %scan3A_61  : i32 {
        %mul3A_64 = arith.constant 1 : i32
        %mul3A_65 = arith.muli %scan3A_63, %mul3A_64 : i32
        %add3A_66 = arith.constant 0 : i32
        %add3A_67 = arith.addi %add3A_66, %mul3A_65 : i32
        %broadcast_in_dim3A = arith.constant 0.000000e+00 : f32
        %broadcast_in_dim3A_68 = vector.broadcast %broadcast_in_dim3A : f32 to vector<1x16xf32>
        %mul3A_69 = arith.constant 16 : i32
        %mul3A_70 = arith.muli %add3A_67, %mul3A_69 : i32
        %swap3A = arith.index_cast %add3A_57 : i32 to index
        %swap3A_71 = arith.index_cast %mul3A_70 : i32 to index
        %swap3A_72 = tpu.vector_load %arg8[%swap3A, %swap3A_71] {strides = array<i32>} : memref<128x128xf32, #tpu.memory_space<vmem>>, vector<1x16xf32>,
        %swap3A_73 = vector.shape_cast %swap3A_72 : vector<1x16xf32> to vector<1x16xf32>
        %swap3A_74 = vector.shape_cast %broadcast_in_dim3A_68 : vector<1x16xf32> to vector<1x16xf32>
        tpu.vector_store %arg8[%swap3A, %swap3A_71], %swap3A_74 {strides = array<i32>} : memref<128x128xf32, #tpu.memory_space<vmem>>, vector<1x16xf32>,
      }
      %scan3A_62 = arith.constant 8 : i32
    }
    %scan3A_4 = arith.constant 128 : i32
    %scan3A_5 = arith.constant 0 : i32
    %scan3A_6 = arith.constant 2 : i32
    %scan3A_7 = arith.addi %scan3A_5, %scan3A_6 : i32
    %scan3A_8 = arith.constant 1 : i32
    scf.for %scan3A_53 = %scan3A_5 to %scan3A_7 step %scan3A_8  : i32 {
      %mul3A_54 = arith.constant 1 : i32
      %mul3A_55 = arith.muli %scan3A_53, %mul3A_54 : i32
      %add3A_56 = arith.constant 0 : i32
      %add3A_57 = arith.addi %add3A_56, %mul3A_55 : i32
      %mul3A_58 = arith.constant 320 : i32
      %mul3A_59 = arith.muli %arg1, %mul3A_58 : i32
      %mul3A_60 = arith.constant 128 : i32
      %mul3A_61 = arith.muli %add3A_57, %mul3A_60 : i32
      %add3A_62 = arith.addi %mul3A_59, %mul3A_61 : i32
      "tpu.region"() ({
        %run_scoped3A_63 = tpu.sem_alloc : memref<!tpu.dma_semaphore, #tpu.memory_space<semaphore_mem>>
        %dma_start3A_64 = arith.constant 0 : i32
        %dma_start3A_65 = tpu.memref_slice %arg10[%add3A_62, %dma_start3A_64] : memref<5184x128xf32, #tpu.memory_space<vmem_shared>> -> memref<128x128xf32, #tpu.memory_space<vmem_shared>>
        %dma_start3A_66 = arith.constant 0 : i32
        %dma_start3A_67 = tpu.memref_slice %arg10[%add3A_62, %dma_start3A_66] : memref<5184x128xf32, #tpu.memory_space<vmem_shared>> -> memref<128x128xf32, #tpu.memory_space<vmem_shared>>
        tpu.enqueue_dma source(%arg8 : memref<128x128xf32, #tpu.memory_space<vmem>>) target(%dma_start3A_67 : memref<128x128xf32, #tpu.memory_space<vmem_shared>>) target_semaphore(%run_scoped3A_63 : memref<!tpu.dma_semaphore, #tpu.memory_space<semaphore_mem>>)
        %dma_wait3A_68 = arith.constant 0 : i32
        %dma_wait3A_69 = tpu.memref_slice %arg10[%add3A_62, %dma_wait3A_68] : memref<5184x128xf32, #tpu.memory_space<vmem_shared>> -> memref<128x128xf32, #tpu.memory_space<vmem_shared>>
        %dma_wait3A_70 = arith.constant 0 : i32
        %dma_wait3A_71 = tpu.memref_slice %arg10[%add3A_62, %dma_wait3A_70] : memref<5184x128xf32, #tpu.memory_space<vmem_shared>> -> memref<128x128xf32, #tpu.memory_space<vmem_shared>>
        tpu.wait_dma2 semaphore(%run_scoped3A_63 : memref<!tpu.dma_semaphore, #tpu.memory_space<semaphore_mem>>) src(%arg8 : memref<128x128xf32, #tpu.memory_space<vmem>>) dst(%dma_wait3A_71 : memref<128x128xf32, #tpu.memory_space<vmem_shared>>)
        tpu.yield
      }) : () -> ()
    }
    %scan3A_9 = arith.constant 2 : i32
    %mul3A_10 = arith.constant 320 : i32
    %mul3A_11 = arith.muli %arg1, %mul3A_10 : i32
    %add3A = arith.constant 256 : i32
    %add3A_12 = arith.addi %mul3A_11, %add3A : i32
    "tpu.region"() ({
      %run_scoped3A_53 = tpu.sem_alloc : memref<!tpu.dma_semaphore, #tpu.memory_space<semaphore_mem>>
      %dma_start3A_54 = arith.constant 0 : i32
      %dma_start3A_55 = arith.constant 0 : i32
      %dma_start3A_56 = tpu.memref_slice %arg8[%dma_start3A_54, %dma_start3A_55] : memref<128x128xf32, #tpu.memory_space<vmem>> -> memref<64x128xf32, #tpu.memory_space<vmem>>
      %dma_start3A_57 = arith.constant 0 : i32
      %dma_start3A_58 = tpu.memref_slice %arg10[%add3A_12, %dma_start3A_57] : memref<5184x128xf32, #tpu.memory_space<vmem_shared>> -> memref<64x128xf32, #tpu.memory_space<vmem_shared>>
      %dma_start3A_59 = arith.constant 0 : i32
      %dma_start3A_60 = tpu.memref_slice %arg10[%add3A_12, %dma_start3A_59] : memref<5184x128xf32, #tpu.memory_space<vmem_shared>> -> memref<64x128xf32, #tpu.memory_space<vmem_shared>>
      %dma_start3A_61 = arith.constant 0 : i32
      %dma_start3A_62 = arith.constant 0 : i32
      %dma_start3A_63 = tpu.memref_slice %arg8[%dma_start3A_61, %dma_start3A_62] : memref<128x128xf32, #tpu.memory_space<vmem>> -> memref<64x128xf32, #tpu.memory_space<vmem>>
      tpu.enqueue_dma source(%dma_start3A_63 : memref<64x128xf32, #tpu.memory_space<vmem>>) target(%dma_start3A_60 : memref<64x128xf32, #tpu.memory_space<vmem_shared>>) target_semaphore(%run_scoped3A_53 : memref<!tpu.dma_semaphore, #tpu.memory_space<semaphore_mem>>)
      %dma_wait3A_64 = arith.constant 0 : i32
      %dma_wait3A_65 = arith.constant 0 : i32
      %dma_wait3A_66 = tpu.memref_slice %arg8[%dma_wait3A_64, %dma_wait3A_65] : memref<128x128xf32, #tpu.memory_space<vmem>> -> memref<64x128xf32, #tpu.memory_space<vmem>>
      %dma_wait3A_67 = arith.constant 0 : i32
      %dma_wait3A_68 = tpu.memref_slice %arg10[%add3A_12, %dma_wait3A_67] : memref<5184x128xf32, #tpu.memory_space<vmem_shared>> -> memref<64x128xf32, #tpu.memory_space<vmem_shared>>
      %dma_wait3A_69 = arith.constant 0 : i32
      %dma_wait3A_70 = tpu.memref_slice %arg10[%add3A_12, %dma_wait3A_69] : memref<5184x128xf32, #tpu.memory_space<vmem_shared>> -> memref<64x128xf32, #tpu.memory_space<vmem_shared>>
      %dma_wait3A_71 = arith.constant 0 : i32
      %dma_wait3A_72 = arith.constant 0 : i32
      %dma_wait3A_73 = tpu.memref_slice %arg8[%dma_wait3A_71, %dma_wait3A_72] : memref<128x128xf32, #tpu.memory_space<vmem>> -> memref<64x128xf32, #tpu.memory_space<vmem>>
      tpu.wait_dma2 semaphore(%run_scoped3A_53 : memref<!tpu.dma_semaphore, #tpu.memory_space<semaphore_mem>>) src(%dma_wait3A_73 : memref<64x128xf32, #tpu.memory_space<vmem>>) dst(%dma_wait3A_70 : memref<64x128xf32, #tpu.memory_space<vmem_shared>>)
      tpu.yield
    }) : () -> ()
    %barrier3A = arith.constant 0 : index
    tpu.barrier barrier_id(%barrier3A)
    "tpu.region"() ({
      %run_scoped3A_53 = tpu.sem_alloc : memref<!tpu.dma_semaphore, #tpu.memory_space<semaphore_mem>>
      %dma_start3A_54 = arith.constant 0 : i32
      %dma_start3A_55 = arith.constant 0 : i32
      %dma_start3A_56 = tpu.memref_slice %arg3[%arg1, %dma_start3A_54, %dma_start3A_55] : memref<16x158x128xi32, #tpu.memory_space<hbm>> -> memref<1x158x128xi32, #tpu.memory_space<hbm>>
      %dma_start3A_57 = tpu.memref_squeeze %dma_start3A_56 : memref<1x158x128xi32, #tpu.memory_space<hbm>> -> memref<158x128xi32, #tpu.memory_space<hbm>>
      %dma_start3A_58 = arith.constant 0 : i32
      %dma_start3A_59 = arith.constant 0 : i32
      %dma_start3A_60 = tpu.memref_slice %arg3[%arg1, %dma_start3A_58, %dma_start3A_59] : memref<16x158x128xi32, #tpu.memory_space<hbm>> -> memref<1x158x128xi32, #tpu.memory_space<hbm>>
      %dma_start3A_61 = tpu.memref_squeeze %dma_start3A_60 : memref<1x158x128xi32, #tpu.memory_space<hbm>> -> memref<158x128xi32, #tpu.memory_space<hbm>>
      tpu.enqueue_dma source(%dma_start3A_61 : memref<158x128xi32, #tpu.memory_space<hbm>>) target(%arg6 : memref<158x128xi32, #tpu.memory_space<vmem>>) target_semaphore(%run_scoped3A_53 : memref<!tpu.dma_semaphore, #tpu.memory_space<semaphore_mem>>)
      %dma_wait3A_62 = arith.constant 0 : i32
      %dma_wait3A_63 = arith.constant 0 : i32
      %dma_wait3A_64 = tpu.memref_slice %arg3[%arg1, %dma_wait3A_62, %dma_wait3A_63] : memref<16x158x128xi32, #tpu.memory_space<hbm>> -> memref<1x158x128xi32, #tpu.memory_space<hbm>>
      %dma_wait3A_65 = tpu.memref_squeeze %dma_wait3A_64 : memref<1x158x128xi32, #tpu.memory_space<hbm>> -> memref<158x128xi32, #tpu.memory_space<hbm>>
      %dma_wait3A_66 = arith.constant 0 : i32
      %dma_wait3A_67 = arith.constant 0 : i32
      %dma_wait3A_68 = tpu.memref_slice %arg3[%arg1, %dma_wait3A_66, %dma_wait3A_67] : memref<16x158x128xi32, #tpu.memory_space<hbm>> -> memref<1x158x128xi32, #tpu.memory_space<hbm>>
      %dma_wait3A_69 = tpu.memref_squeeze %dma_wait3A_68 : memref<1x158x128xi32, #tpu.memory_space<hbm>> -> memref<158x128xi32, #tpu.memory_space<hbm>>
      tpu.wait_dma2 semaphore(%run_scoped3A_53 : memref<!tpu.dma_semaphore, #tpu.memory_space<semaphore_mem>>) src(%dma_wait3A_69 : memref<158x128xi32, #tpu.memory_space<hbm>>) dst(%arg6 : memref<158x128xi32, #tpu.memory_space<vmem>>)
      tpu.yield
    }) : () -> ()
    "tpu.region"() ({
      %run_scoped3A_53 = tpu.sem_alloc : memref<!tpu.dma_semaphore, #tpu.memory_space<semaphore_mem>>
      %dma_start3A_54 = arith.constant 0 : i32
      %dma_start3A_55 = arith.constant 0 : i32
      %dma_start3A_56 = tpu.memref_slice %arg4[%arg1, %dma_start3A_54, %dma_start3A_55] : memref<16x158x128xi32, #tpu.memory_space<hbm>> -> memref<1x158x128xi32, #tpu.memory_space<hbm>>
      %dma_start3A_57 = tpu.memref_squeeze %dma_start3A_56 : memref<1x158x128xi32, #tpu.memory_space<hbm>> -> memref<158x128xi32, #tpu.memory_space<hbm>>
      %dma_start3A_58 = arith.constant 0 : i32
      %dma_start3A_59 = arith.constant 0 : i32
      %dma_start3A_60 = tpu.memref_slice %arg4[%arg1, %dma_start3A_58, %dma_start3A_59] : memref<16x158x128xi32, #tpu.memory_space<hbm>> -> memref<1x158x128xi32, #tpu.memory_space<hbm>>
      %dma_start3A_61 = tpu.memref_squeeze %dma_start3A_60 : memref<1x158x128xi32, #tpu.memory_space<hbm>> -> memref<158x128xi32, #tpu.memory_space<hbm>>
      tpu.enqueue_dma source(%dma_start3A_61 : memref<158x128xi32, #tpu.memory_space<hbm>>) target(%arg7 : memref<158x128xi32, #tpu.memory_space<vmem>>) target_semaphore(%run_scoped3A_53 : memref<!tpu.dma_semaphore, #tpu.memory_space<semaphore_mem>>)
      %dma_wait3A_62 = arith.constant 0 : i32
      %dma_wait3A_63 = arith.constant 0 : i32
      %dma_wait3A_64 = tpu.memref_slice %arg4[%arg1, %dma_wait3A_62, %dma_wait3A_63] : memref<16x158x128xi32, #tpu.memory_space<hbm>> -> memref<1x158x128xi32, #tpu.memory_space<hbm>>
      %dma_wait3A_65 = tpu.memref_squeeze %dma_wait3A_64 : memref<1x158x128xi32, #tpu.memory_space<hbm>> -> memref<158x128xi32, #tpu.memory_space<hbm>>
      %dma_wait3A_66 = arith.constant 0 : i32
      %dma_wait3A_67 = arith.constant 0 : i32
      %dma_wait3A_68 = tpu.memref_slice %arg4[%arg1, %dma_wait3A_66, %dma_wait3A_67] : memref<16x158x128xi32, #tpu.memory_space<hbm>> -> memref<1x158x128xi32, #tpu.memory_space<hbm>>
      %dma_wait3A_69 = tpu.memref_squeeze %dma_wait3A_68 : memref<1x158x128xi32, #tpu.memory_space<hbm>> -> memref<158x128xi32, #tpu.memory_space<hbm>>
      tpu.wait_dma2 semaphore(%run_scoped3A_53 : memref<!tpu.dma_semaphore, #tpu.memory_space<semaphore_mem>>) src(%dma_wait3A_69 : memref<158x128xi32, #tpu.memory_space<hbm>>) dst(%arg7 : memref<158x128xi32, #tpu.memory_space<vmem>>)
      tpu.yield
    }) : () -> ()
    %scan3A_13 = arith.constant 0 : i32
    %scan3A_14 = arith.constant 158 : i32
    %scan3A_15 = arith.addi %scan3A_13, %scan3A_14 : i32
    %scan3A_16 = arith.constant 1 : i32
    scf.for %scan3A_53 = %scan3A_13 to %scan3A_15 step %scan3A_16  : i32 {
      %mul3A_54 = arith.constant 1 : i32
      %mul3A_55 = arith.muli %scan3A_53, %mul3A_54 : i32
      %add3A_56 = arith.constant 0 : i32
      %add3A_57 = arith.addi %add3A_56, %mul3A_55 : i32
      %scan3A_58 = arith.constant 0 : i32
      %scan3A_59 = arith.constant 8 : i32
      %scan3A_60 = arith.addi %scan3A_58, %scan3A_59 : i32
      %scan3A_61 = arith.constant 1 : i32
      scf.for %scan3A_63 = %scan3A_58 to %scan3A_60 step %scan3A_61  : i32 {
        %mul3A_64 = arith.constant 1 : i32
        %mul3A_65 = arith.muli %scan3A_63, %mul3A_64 : i32
        %add3A_66 = arith.constant 0 : i32
        %add3A_67 = arith.addi %add3A_66, %mul3A_65 : i32
        %mul3A_68 = arith.constant 16 : i32
        %mul3A_69 = arith.muli %add3A_67, %mul3A_68 : i32
        %get3A = arith.index_cast %add3A_57 : i32 to index
        %get3A_70 = arith.index_cast %mul3A_69 : i32 to index
        %get3A_71 = tpu.vector_load %arg7[%get3A, %get3A_70] {strides = array<i32>} : memref<158x128xi32, #tpu.memory_space<vmem>>, vector<1x16xi32>,
        %get3A_72 = vector.shape_cast %get3A_71 : vector<1x16xi32> to vector<16xi32>
        %ge3A = vector.broadcast %mul3A_0 : i32 to vector<16xi32>
        %ge3A_73 = arith.cmpi sge, %get3A_72, %ge3A : vector<16xi32>
        %add3A_74 = arith.constant 5120 : i32
        %add3A_75 = arith.addi %mul3A_0, %add3A_74 : i32
        %lt3A = vector.broadcast %add3A_75 : i32 to vector<16xi32>
        %lt3A_76 = arith.cmpi slt, %get3A_72, %lt3A : vector<16xi32>
        %and3A = arith.andi %ge3A_73, %lt3A_76 : vector<16xi1>
        %and3A_77 = arith.constant 63 : i32
        %and3A_78 = vector.broadcast %and3A_77 : i32 to vector<16xi32>
        %and3A_79 = arith.andi %get3A_72, %and3A_78 : vector<16xi32>
        %add3A_80 = arith.constant 5120 : i32
        %add3A_81 = vector.broadcast %add3A_80 : i32 to vector<16xi32>
        %add3A_82 = arith.addi %add3A_81, %and3A_79 : vector<16xi32>
        %sub3A = vector.broadcast %mul3A_0 : i32 to vector<16xi32>
        %sub3A_83 = arith.subi %get3A_72, %sub3A : vector<16xi32>
        %select_n3A = arith.select %and3A, %sub3A_83, %add3A_82 : vector<16xi1>, vector<16xi32>
        %mul3A_84 = arith.constant 16 : i32
        %mul3A_85 = arith.muli %add3A_67, %mul3A_84 : i32
        %swap3A = arith.index_cast %add3A_57 : i32 to index
        %swap3A_86 = arith.index_cast %mul3A_85 : i32 to index
        %swap3A_87 = tpu.vector_load %arg7[%swap3A, %swap3A_86] {strides = array<i32>} : memref<158x128xi32, #tpu.memory_space<vmem>>, vector<1x16xi32>,
        %swap3A_88 = vector.shape_cast %swap3A_87 : vector<1x16xi32> to vector<16xi32>
        %swap3A_89 = vector.shape_cast %select_n3A : vector<16xi32> to vector<1x16xi32>
        tpu.vector_store %arg7[%swap3A, %swap3A_86], %swap3A_89 {strides = array<i32>} : memref<158x128xi32, #tpu.memory_space<vmem>>, vector<1x16xi32>,
      }
      %scan3A_62 = arith.constant 8 : i32
    }
    %scan3A_17 = arith.constant 158 : i32
    %dma_start3A = arith.constant 0 : i32
    %dma_start3A_18 = arith.constant 0 : i32
    %dma_start3A_19 = tpu.memref_slice %arg6[%dma_start3A, %dma_start3A_18] : memref<158x128xi32, #tpu.memory_space<vmem>> -> memref<1x128xi32, #tpu.memory_space<vmem>>
    %dma_start3A_20 = tpu.memref_squeeze %dma_start3A_19 : memref<1x128xi32, #tpu.memory_space<vmem>> -> memref<128xi32, #tpu.memory_space<vmem>>
    %dma_start3A_21 = arith.constant 0 : i32
    %dma_start3A_22 = arith.constant 0 : i32
    %dma_start3A_23 = tpu.memref_slice %arg2[%dma_start3A_21, %dma_start3A_22] : memref<10240x128xf32, #tpu.memory_space<hbm>> -> memref<10240x128xf32, #tpu.memory_space<hbm>>
    tpu.enqueue_indirect_dma source(%dma_start3A_23 : memref<10240x128xf32, #tpu.memory_space<hbm>>) target(%arg8 : memref<128x128xf32, #tpu.memory_space<vmem>>) offsets(%dma_start3A_20 : memref<128xi32, #tpu.memory_space<vmem>>) semaphore(%arg11 : memref<!tpu.dma_semaphore, #tpu.memory_space<semaphore_mem>>)
    %scan3A_24 = arith.constant 0 : i32
    %scan3A_25 = arith.constant 78 : i32
    %scan3A_26 = arith.addi %scan3A_24, %scan3A_25 : i32
    %scan3A_27 = arith.constant 1 : i32
    scf.for %scan3A_53 = %scan3A_24 to %scan3A_26 step %scan3A_27  : i32 {
      %mul3A_54 = arith.constant 1 : i32
      %mul3A_55 = arith.muli %scan3A_53, %mul3A_54 : i32
      %add3A_56 = arith.constant 0 : i32
      %add3A_57 = arith.addi %add3A_56, %mul3A_55 : i32
      %mul3A_58 = arith.constant 2 : i32
      %mul3A_59 = arith.muli %add3A_57, %mul3A_58 : i32
      %dma_wait3A_60 = arith.constant 0 : i32
      %dma_wait3A_61 = arith.constant 0 : i32
      %dma_wait3A_62 = tpu.memref_slice %arg2[%dma_wait3A_60, %dma_wait3A_61] : memref<10240x128xf32, #tpu.memory_space<hbm>> -> memref<128x128xf32, #tpu.memory_space<hbm>>
      %dma_wait3A_63 = arith.constant 0 : i32
      %dma_wait3A_64 = arith.constant 0 : i32
      %dma_wait3A_65 = tpu.memref_slice %arg2[%dma_wait3A_63, %dma_wait3A_64] : memref<10240x128xf32, #tpu.memory_space<hbm>> -> memref<128x128xf32, #tpu.memory_space<hbm>>
      tpu.wait_dma2 semaphore(%arg11 : memref<!tpu.dma_semaphore, #tpu.memory_space<semaphore_mem>>) src(%dma_wait3A_65 : memref<128x128xf32, #tpu.memory_space<hbm>>) dst(%arg8 : memref<128x128xf32, #tpu.memory_space<vmem>>)
      %add3A_66 = arith.constant 1 : i32
      %add3A_67 = arith.addi %mul3A_59, %add3A_66 : i32
      %dma_start3A_68 = arith.constant 0 : i32
      %dma_start3A_69 = tpu.memref_slice %arg6[%add3A_67, %dma_start3A_68] : memref<158x128xi32, #tpu.memory_space<vmem>> -> memref<1x128xi32, #tpu.memory_space<vmem>>
      %dma_start3A_70 = tpu.memref_squeeze %dma_start3A_69 : memref<1x128xi32, #tpu.memory_space<vmem>> -> memref<128xi32, #tpu.memory_space<vmem>>
      %dma_start3A_71 = arith.constant 0 : i32
      %dma_start3A_72 = arith.constant 0 : i32
      %dma_start3A_73 = tpu.memref_slice %arg2[%dma_start3A_71, %dma_start3A_72] : memref<10240x128xf32, #tpu.memory_space<hbm>> -> memref<10240x128xf32, #tpu.memory_space<hbm>>
      tpu.enqueue_indirect_dma source(%dma_start3A_73 : memref<10240x128xf32, #tpu.memory_space<hbm>>) target(%arg9 : memref<128x128xf32, #tpu.memory_space<vmem>>) offsets(%dma_start3A_70 : memref<128xi32, #tpu.memory_space<vmem>>) semaphore(%arg12 : memref<!tpu.dma_semaphore, #tpu.memory_space<semaphore_mem>>)
      "tpu.region"() ({
        %run_scoped3A_90 = tpu.sem_alloc : memref<!tpu.dma_semaphore, #tpu.memory_space<semaphore_mem>>
        %dma_start3A_91 = arith.constant 0 : i32
        %dma_start3A_92 = tpu.memref_slice %arg7[%mul3A_59, %dma_start3A_91] : memref<158x128xi32, #tpu.memory_space<vmem>> -> memref<1x128xi32, #tpu.memory_space<vmem>>
        %dma_start3A_93 = tpu.memref_squeeze %dma_start3A_92 : memref<1x128xi32, #tpu.memory_space<vmem>> -> memref<128xi32, #tpu.memory_space<vmem>>
        %dma_start3A_94 = arith.constant 0 : i32
        %dma_start3A_95 = arith.constant 0 : i32
        %dma_start3A_96 = tpu.memref_slice %arg10[%dma_start3A_94, %dma_start3A_95] : memref<5184x128xf32, #tpu.memory_space<vmem_shared>> -> memref<5184x128xf32, #tpu.memory_space<vmem_shared>>
        tpu.enqueue_indirect_dma source(%arg8 : memref<128x128xf32, #tpu.memory_space<vmem>>) target(%dma_start3A_96 : memref<5184x128xf32, #tpu.memory_space<vmem_shared>>) offsets(%dma_start3A_93 : memref<128xi32, #tpu.memory_space<vmem>>) semaphore(%run_scoped3A_90 : memref<!tpu.dma_semaphore, #tpu.memory_space<semaphore_mem>>) {add = true}
        %dma_wait3A_97 = arith.constant 0 : i32
        %dma_wait3A_98 = tpu.memref_slice %arg7[%mul3A_59, %dma_wait3A_97] : memref<158x128xi32, #tpu.memory_space<vmem>> -> memref<1x128xi32, #tpu.memory_space<vmem>>
        %dma_wait3A_99 = tpu.memref_squeeze %dma_wait3A_98 : memref<1x128xi32, #tpu.memory_space<vmem>> -> memref<128xi32, #tpu.memory_space<vmem>>
        %dma_wait3A_100 = arith.constant 0 : i32
        %dma_wait3A_101 = arith.constant 0 : i32
        %dma_wait3A_102 = tpu.memref_slice %arg10[%dma_wait3A_100, %dma_wait3A_101] : memref<5184x128xf32, #tpu.memory_space<vmem_shared>> -> memref<5184x128xf32, #tpu.memory_space<vmem_shared>>
        tpu.wait_indirect_dma semaphore(%run_scoped3A_90 : memref<!tpu.dma_semaphore, #tpu.memory_space<semaphore_mem>>) src(%arg8 : memref<128x128xf32, #tpu.memory_space<vmem>>) dst(%dma_wait3A_102 : memref<5184x128xf32, #tpu.memory_space<vmem_shared>>)
        tpu.yield
      }) : () -> ()
      %dma_wait3A_74 = arith.constant 0 : i32
      %dma_wait3A_75 = arith.constant 0 : i32
      %dma_wait3A_76 = tpu.memref_slice %arg2[%dma_wait3A_74, %dma_wait3A_75] : memref<10240x128xf32, #tpu.memory_space<hbm>> -> memref<128x128xf32, #tpu.memory_space<hbm>>
      %dma_wait3A_77 = arith.constant 0 : i32
      %dma_wait3A_78 = arith.constant 0 : i32
      %dma_wait3A_79 = tpu.memref_slice %arg2[%dma_wait3A_77, %dma_wait3A_78] : memref<10240x128xf32, #tpu.memory_space<hbm>> -> memref<128x128xf32, #tpu.memory_space<hbm>>
      tpu.wait_dma2 semaphore(%arg12 : memref<!tpu.dma_semaphore, #tpu.memory_space<semaphore_mem>>) src(%dma_wait3A_79 : memref<128x128xf32, #tpu.memory_space<hbm>>) dst(%arg9 : memref<128x128xf32, #tpu.memory_space<vmem>>)
      %add3A_80 = arith.constant 2 : i32
      %add3A_81 = arith.addi %mul3A_59, %add3A_80 : i32
      %dma_start3A_82 = arith.constant 0 : i32
      %dma_start3A_83 = tpu.memref_slice %arg6[%add3A_81, %dma_start3A_82] : memref<158x128xi32, #tpu.memory_space<vmem>> -> memref<1x128xi32, #tpu.memory_space<vmem>>
      %dma_start3A_84 = tpu.memref_squeeze %dma_start3A_83 : memref<1x128xi32, #tpu.memory_space<vmem>> -> memref<128xi32, #tpu.memory_space<vmem>>
      %dma_start3A_85 = arith.constant 0 : i32
      %dma_start3A_86 = arith.constant 0 : i32
      %dma_start3A_87 = tpu.memref_slice %arg2[%dma_start3A_85, %dma_start3A_86] : memref<10240x128xf32, #tpu.memory_space<hbm>> -> memref<10240x128xf32, #tpu.memory_space<hbm>>
      tpu.enqueue_indirect_dma source(%dma_start3A_87 : memref<10240x128xf32, #tpu.memory_space<hbm>>) target(%arg8 : memref<128x128xf32, #tpu.memory_space<vmem>>) offsets(%dma_start3A_84 : memref<128xi32, #tpu.memory_space<vmem>>) semaphore(%arg11 : memref<!tpu.dma_semaphore, #tpu.memory_space<semaphore_mem>>)
      %add3A_88 = arith.constant 1 : i32
      %add3A_89 = arith.addi %mul3A_59, %add3A_88 : i32
      "tpu.region"() ({
        %run_scoped3A_90 = tpu.sem_alloc : memref<!tpu.dma_semaphore, #tpu.memory_space<semaphore_mem>>
        %dma_start3A_91 = arith.constant 0 : i32
        %dma_start3A_92 = tpu.memref_slice %arg7[%add3A_89, %dma_start3A_91] : memref<158x128xi32, #tpu.memory_space<vmem>> -> memref<1x128xi32, #tpu.memory_space<vmem>>
        %dma_start3A_93 = tpu.memref_squeeze %dma_start3A_92 : memref<1x128xi32, #tpu.memory_space<vmem>> -> memref<128xi32, #tpu.memory_space<vmem>>
        %dma_start3A_94 = arith.constant 0 : i32
        %dma_start3A_95 = arith.constant 0 : i32
        %dma_start3A_96 = tpu.memref_slice %arg10[%dma_start3A_94, %dma_start3A_95] : memref<5184x128xf32, #tpu.memory_space<vmem_shared>> -> memref<5184x128xf32, #tpu.memory_space<vmem_shared>>
        tpu.enqueue_indirect_dma source(%arg9 : memref<128x128xf32, #tpu.memory_space<vmem>>) target(%dma_start3A_96 : memref<5184x128xf32, #tpu.memory_space<vmem_shared>>) offsets(%dma_start3A_93 : memref<128xi32, #tpu.memory_space<vmem>>) semaphore(%run_scoped3A_90 : memref<!tpu.dma_semaphore, #tpu.memory_space<semaphore_mem>>) {add = true}
        %dma_wait3A_97 = arith.constant 0 : i32
        %dma_wait3A_98 = tpu.memref_slice %arg7[%add3A_89, %dma_wait3A_97] : memref<158x128xi32, #tpu.memory_space<vmem>> -> memref<1x128xi32, #tpu.memory_space<vmem>>
        %dma_wait3A_99 = tpu.memref_squeeze %dma_wait3A_98 : memref<1x128xi32, #tpu.memory_space<vmem>> -> memref<128xi32, #tpu.memory_space<vmem>>
        %dma_wait3A_100 = arith.constant 0 : i32
        %dma_wait3A_101 = arith.constant 0 : i32
        %dma_wait3A_102 = tpu.memref_slice %arg10[%dma_wait3A_100, %dma_wait3A_101] : memref<5184x128xf32, #tpu.memory_space<vmem_shared>> -> memref<5184x128xf32, #tpu.memory_space<vmem_shared>>
        tpu.wait_indirect_dma semaphore(%run_scoped3A_90 : memref<!tpu.dma_semaphore, #tpu.memory_space<semaphore_mem>>) src(%arg9 : memref<128x128xf32, #tpu.memory_space<vmem>>) dst(%dma_wait3A_102 : memref<5184x128xf32, #tpu.memory_space<vmem_shared>>)
        tpu.yield
      }) : () -> ()
    }
    %scan3A_28 = arith.constant 78 : i32
    %dma_wait3A = arith.constant 0 : i32
    %dma_wait3A_29 = arith.constant 0 : i32
    %dma_wait3A_30 = tpu.memref_slice %arg2[%dma_wait3A, %dma_wait3A_29] : memref<10240x128xf32, #tpu.memory_space<hbm>> -> memref<128x128xf32, #tpu.memory_space<hbm>>
    %dma_wait3A_31 = arith.constant 0 : i32
    %dma_wait3A_32 = arith.constant 0 : i32
    %dma_wait3A_33 = tpu.memref_slice %arg2[%dma_wait3A_31, %dma_wait3A_32] : memref<10240x128xf32, #tpu.memory_space<hbm>> -> memref<128x128xf32, #tpu.memory_space<hbm>>
    tpu.wait_dma2 semaphore(%arg11 : memref<!tpu.dma_semaphore, #tpu.memory_space<semaphore_mem>>) src(%dma_wait3A_33 : memref<128x128xf32, #tpu.memory_space<hbm>>) dst(%arg8 : memref<128x128xf32, #tpu.memory_space<vmem>>)
    %dma_start3A_34 = arith.constant 157 : i32
    %dma_start3A_35 = arith.constant 0 : i32
    %dma_start3A_36 = tpu.memref_slice %arg6[%dma_start3A_34, %dma_start3A_35] : memref<158x128xi32, #tpu.memory_space<vmem>> -> memref<1x128xi32, #tpu.memory_space<vmem>>
    %dma_start3A_37 = tpu.memref_squeeze %dma_start3A_36 : memref<1x128xi32, #tpu.memory_space<vmem>> -> memref<128xi32, #tpu.memory_space<vmem>>
    %dma_start3A_38 = arith.constant 0 : i32
    %dma_start3A_39 = arith.constant 0 : i32
    %dma_start3A_40 = tpu.memref_slice %arg2[%dma_start3A_38, %dma_start3A_39] : memref<10240x128xf32, #tpu.memory_space<hbm>> -> memref<10240x128xf32, #tpu.memory_space<hbm>>
    tpu.enqueue_indirect_dma source(%dma_start3A_40 : memref<10240x128xf32, #tpu.memory_space<hbm>>) target(%arg9 : memref<128x128xf32, #tpu.memory_space<vmem>>) offsets(%dma_start3A_37 : memref<128xi32, #tpu.memory_space<vmem>>) semaphore(%arg12 : memref<!tpu.dma_semaphore, #tpu.memory_space<semaphore_mem>>)
    %run_scoped3A = arith.constant 156 : i32
    "tpu.region"() ({
      %run_scoped3A_53 = tpu.sem_alloc : memref<!tpu.dma_semaphore, #tpu.memory_space<semaphore_mem>>
      %dma_start3A_54 = arith.constant 0 : i32
      %dma_start3A_55 = tpu.memref_slice %arg7[%run_scoped3A, %dma_start3A_54] : memref<158x128xi32, #tpu.memory_space<vmem>> -> memref<1x128xi32, #tpu.memory_space<vmem>>
      %dma_start3A_56 = tpu.memref_squeeze %dma_start3A_55 : memref<1x128xi32, #tpu.memory_space<vmem>> -> memref<128xi32, #tpu.memory_space<vmem>>
      %dma_start3A_57 = arith.constant 0 : i32
      %dma_start3A_58 = arith.constant 0 : i32
      %dma_start3A_59 = tpu.memref_slice %arg10[%dma_start3A_57, %dma_start3A_58] : memref<5184x128xf32, #tpu.memory_space<vmem_shared>> -> memref<5184x128xf32, #tpu.memory_space<vmem_shared>>
      tpu.enqueue_indirect_dma source(%arg8 : memref<128x128xf32, #tpu.memory_space<vmem>>) target(%dma_start3A_59 : memref<5184x128xf32, #tpu.memory_space<vmem_shared>>) offsets(%dma_start3A_56 : memref<128xi32, #tpu.memory_space<vmem>>) semaphore(%run_scoped3A_53 : memref<!tpu.dma_semaphore, #tpu.memory_space<semaphore_mem>>) {add = true}
      %dma_wait3A_60 = arith.constant 0 : i32
      %dma_wait3A_61 = tpu.memref_slice %arg7[%run_scoped3A, %dma_wait3A_60] : memref<158x128xi32, #tpu.memory_space<vmem>> -> memref<1x128xi32, #tpu.memory_space<vmem>>
      %dma_wait3A_62 = tpu.memref_squeeze %dma_wait3A_61 : memref<1x128xi32, #tpu.memory_space<vmem>> -> memref<128xi32, #tpu.memory_space<vmem>>
      %dma_wait3A_63 = arith.constant 0 : i32
      %dma_wait3A_64 = arith.constant 0 : i32
      %dma_wait3A_65 = tpu.memref_slice %arg10[%dma_wait3A_63, %dma_wait3A_64] : memref<5184x128xf32, #tpu.memory_space<vmem_shared>> -> memref<5184x128xf32, #tpu.memory_space<vmem_shared>>
      tpu.wait_indirect_dma semaphore(%run_scoped3A_53 : memref<!tpu.dma_semaphore, #tpu.memory_space<semaphore_mem>>) src(%arg8 : memref<128x128xf32, #tpu.memory_space<vmem>>) dst(%dma_wait3A_65 : memref<5184x128xf32, #tpu.memory_space<vmem_shared>>)
      tpu.yield
    }) : () -> ()
    %dma_wait3A_41 = arith.constant 0 : i32
    %dma_wait3A_42 = arith.constant 0 : i32
    %dma_wait3A_43 = tpu.memref_slice %arg2[%dma_wait3A_41, %dma_wait3A_42] : memref<10240x128xf32, #tpu.memory_space<hbm>> -> memref<128x128xf32, #tpu.memory_space<hbm>>
    %dma_wait3A_44 = arith.constant 0 : i32
    %dma_wait3A_45 = arith.constant 0 : i32
    %dma_wait3A_46 = tpu.memref_slice %arg2[%dma_wait3A_44, %dma_wait3A_45] : memref<10240x128xf32, #tpu.memory_space<hbm>> -> memref<128x128xf32, #tpu.memory_space<hbm>>
    tpu.wait_dma2 semaphore(%arg12 : memref<!tpu.dma_semaphore, #tpu.memory_space<semaphore_mem>>) src(%dma_wait3A_46 : memref<128x128xf32, #tpu.memory_space<hbm>>) dst(%arg9 : memref<128x128xf32, #tpu.memory_space<vmem>>)
    %run_scoped3A_47 = arith.constant 157 : i32
    "tpu.region"() ({
      %run_scoped3A_53 = tpu.sem_alloc : memref<!tpu.dma_semaphore, #tpu.memory_space<semaphore_mem>>
      %dma_start3A_54 = arith.constant 0 : i32
      %dma_start3A_55 = tpu.memref_slice %arg7[%run_scoped3A_47, %dma_start3A_54] : memref<158x128xi32, #tpu.memory_space<vmem>> -> memref<1x128xi32, #tpu.memory_space<vmem>>
      %dma_start3A_56 = tpu.memref_squeeze %dma_start3A_55 : memref<1x128xi32, #tpu.memory_space<vmem>> -> memref<128xi32, #tpu.memory_space<vmem>>
      %dma_start3A_57 = arith.constant 0 : i32
      %dma_start3A_58 = arith.constant 0 : i32
      %dma_start3A_59 = tpu.memref_slice %arg10[%dma_start3A_57, %dma_start3A_58] : memref<5184x128xf32, #tpu.memory_space<vmem_shared>> -> memref<5184x128xf32, #tpu.memory_space<vmem_shared>>
      tpu.enqueue_indirect_dma source(%arg9 : memref<128x128xf32, #tpu.memory_space<vmem>>) target(%dma_start3A_59 : memref<5184x128xf32, #tpu.memory_space<vmem_shared>>) offsets(%dma_start3A_56 : memref<128xi32, #tpu.memory_space<vmem>>) semaphore(%run_scoped3A_53 : memref<!tpu.dma_semaphore, #tpu.memory_space<semaphore_mem>>) {add = true}
      %dma_wait3A_60 = arith.constant 0 : i32
      %dma_wait3A_61 = tpu.memref_slice %arg7[%run_scoped3A_47, %dma_wait3A_60] : memref<158x128xi32, #tpu.memory_space<vmem>> -> memref<1x128xi32, #tpu.memory_space<vmem>>
      %dma_wait3A_62 = tpu.memref_squeeze %dma_wait3A_61 : memref<1x128xi32, #tpu.memory_space<vmem>> -> memref<128xi32, #tpu.memory_space<vmem>>
      %dma_wait3A_63 = arith.constant 0 : i32
      %dma_wait3A_64 = arith.constant 0 : i32
      %dma_wait3A_65 = tpu.memref_slice %arg10[%dma_wait3A_63, %dma_wait3A_64] : memref<5184x128xf32, #tpu.memory_space<vmem_shared>> -> memref<5184x128xf32, #tpu.memory_space<vmem_shared>>
      tpu.wait_indirect_dma semaphore(%run_scoped3A_53 : memref<!tpu.dma_semaphore, #tpu.memory_space<semaphore_mem>>) src(%arg9 : memref<128x128xf32, #tpu.memory_space<vmem>>) dst(%dma_wait3A_65 : memref<5184x128xf32, #tpu.memory_space<vmem_shared>>)
      tpu.yield
    }) : () -> ()
    %barrier3A_48 = arith.constant 0 : index
    tpu.barrier barrier_id(%barrier3A_48)
    %mul3A_49 = arith.constant 320 : i32
    %mul3A_50 = arith.muli %arg1, %mul3A_49 : i32
    %mul3A_51 = arith.constant 320 : i32
    %mul3A_52 = arith.muli %arg1, %mul3A_51 : i32
    "tpu.region"() ({
      %run_scoped3A_53 = tpu.sem_alloc : memref<!tpu.dma_semaphore, #tpu.memory_space<semaphore_mem>>
      %dma_start3A_54 = arith.constant 0 : i32
      %dma_start3A_55 = tpu.memref_slice %arg5[%arg0, %mul3A_52, %dma_start3A_54] : memref<2x5120x128xf32, #tpu.memory_space<hbm>> -> memref<1x320x128xf32, #tpu.memory_space<hbm>>
      %dma_start3A_56 = tpu.memref_squeeze %dma_start3A_55 : memref<1x320x128xf32, #tpu.memory_space<hbm>> -> memref<320x128xf32, #tpu.memory_space<hbm>>
      %dma_start3A_57 = arith.constant 0 : i32
      %dma_start3A_58 = tpu.memref_slice %arg10[%mul3A_50, %dma_start3A_57] : memref<5184x128xf32, #tpu.memory_space<vmem_shared>> -> memref<320x128xf32, #tpu.memory_space<vmem_shared>>
      tpu.enqueue_dma source(%dma_start3A_58 : memref<320x128xf32, #tpu.memory_space<vmem_shared>>) target(%dma_start3A_56 : memref<320x128xf32, #tpu.memory_space<hbm>>) target_semaphore(%run_scoped3A_53 : memref<!tpu.dma_semaphore, #tpu.memory_space<semaphore_mem>>)
      %dma_wait3A_59 = arith.constant 0 : i32
      %dma_wait3A_60 = tpu.memref_slice %arg5[%arg0, %mul3A_52, %dma_wait3A_59] : memref<2x5120x128xf32, #tpu.memory_space<hbm>> -> memref<1x320x128xf32, #tpu.memory_space<hbm>>
      %dma_wait3A_61 = tpu.memref_squeeze %dma_wait3A_60 : memref<1x320x128xf32, #tpu.memory_space<hbm>> -> memref<320x128xf32, #tpu.memory_space<hbm>>
      %dma_wait3A_62 = arith.constant 0 : i32
      %dma_wait3A_63 = tpu.memref_slice %arg10[%mul3A_50, %dma_wait3A_62] : memref<5184x128xf32, #tpu.memory_space<vmem_shared>> -> memref<320x128xf32, #tpu.memory_space<vmem_shared>>
      tpu.wait_dma2 semaphore(%run_scoped3A_53 : memref<!tpu.dma_semaphore, #tpu.memory_space<semaphore_mem>>) src(%dma_wait3A_63 : memref<320x128xf32, #tpu.memory_space<vmem_shared>>) dst(%dma_wait3A_61 : memref<320x128xf32, #tpu.memory_space<hbm>>)
      tpu.yield
    }) : () -> ()
    return
  }
}

#map = affine_map<(d0, d1) -> (0, 0, 0)>
#map1 = affine_map<(d0, d1) -> (0)>
module attributes {stable_mosaic.version = 14 : i64} {
  func.func @deg_kernel(%arg0: i32, %arg1: i32, %arg2: memref<32x125x80xi32, #tpu.memory_space<hbm>>, %arg3: memref<20480xf32, #tpu.memory_space<hbm>>, %arg4: memref<125x80xi32, #tpu.memory_space<vmem>>, %arg5: memref<80xf32, #tpu.memory_space<vmem>>, %arg6: memref<640xf32, #tpu.memory_space<vmem>>, %arg7: memref<10240xf32, #tpu.memory_space<vmem_shared>>) attributes {dimension_semantics = [#tpu.dimension_semantics<core_parallel>, #tpu.dimension_semantics<subcore_parallel>], iteration_bounds = array<i64: 2, 16>, scalar_prefetch = 0 : i64, scratch_operands = 4 : i64, tpu.core_type = #tpu.core_type<sc_vector_subcore>, window_params = [{transform_indices = #map}, {transform_indices = #map1}]} {
    %mul3A = arith.constant 2 : i32
    %mul3A_0 = arith.muli %arg1, %mul3A : i32
    %add3A = arith.addi %mul3A_0, %arg0 : i32
    %scan3A = arith.constant 0 : i32
    %scan3A_1 = arith.constant 5 : i32
    %scan3A_2 = arith.addi %scan3A, %scan3A_1 : i32
    %scan3A_3 = arith.constant 1 : i32
    scf.for %scan3A_25 = %scan3A to %scan3A_2 step %scan3A_3  : i32 {
      %mul3A_26 = arith.constant 1 : i32
      %mul3A_27 = arith.muli %scan3A_25, %mul3A_26 : i32
      %add3A_28 = arith.constant 0 : i32
      %add3A_29 = arith.addi %add3A_28, %mul3A_27 : i32
      %broadcast_in_dim3A = arith.constant 1.000000e+00 : f32
      %broadcast_in_dim3A_30 = vector.broadcast %broadcast_in_dim3A : f32 to vector<16xf32>
      %mul3A_31 = arith.constant 16 : i32
      %mul3A_32 = arith.muli %add3A_29, %mul3A_31 : i32
      %swap3A = arith.index_cast %mul3A_32 : i32 to index
      %swap3A_33 = tpu.vector_load %arg5[%swap3A] {strides = array<i32>} : memref<80xf32, #tpu.memory_space<vmem>>, vector<16xf32>,
      %swap3A_34 = vector.shape_cast %swap3A_33 : vector<16xf32> to vector<16xf32>
      %swap3A_35 = vector.shape_cast %broadcast_in_dim3A_30 : vector<16xf32> to vector<16xf32>
      tpu.vector_store %arg5[%swap3A], %swap3A_35 {strides = array<i32>} : memref<80xf32, #tpu.memory_space<vmem>>, vector<16xf32>,
    }
    %scan3A_4 = arith.constant 5 : i32
    %scan3A_5 = arith.constant 0 : i32
    %scan3A_6 = arith.constant 40 : i32
    %scan3A_7 = arith.addi %scan3A_5, %scan3A_6 : i32
    %scan3A_8 = arith.constant 1 : i32
    scf.for %scan3A_25 = %scan3A_5 to %scan3A_7 step %scan3A_8  : i32 {
      %mul3A_26 = arith.constant 1 : i32
      %mul3A_27 = arith.muli %scan3A_25, %mul3A_26 : i32
      %add3A_28 = arith.constant 0 : i32
      %add3A_29 = arith.addi %add3A_28, %mul3A_27 : i32
      %broadcast_in_dim3A = arith.constant 0.000000e+00 : f32
      %broadcast_in_dim3A_30 = vector.broadcast %broadcast_in_dim3A : f32 to vector<16xf32>
      %mul3A_31 = arith.constant 16 : i32
      %mul3A_32 = arith.muli %add3A_29, %mul3A_31 : i32
      %swap3A = arith.index_cast %mul3A_32 : i32 to index
      %swap3A_33 = tpu.vector_load %arg6[%swap3A] {strides = array<i32>} : memref<640xf32, #tpu.memory_space<vmem>>, vector<16xf32>,
      %swap3A_34 = vector.shape_cast %swap3A_33 : vector<16xf32> to vector<16xf32>
      %swap3A_35 = vector.shape_cast %broadcast_in_dim3A_30 : vector<16xf32> to vector<16xf32>
      tpu.vector_store %arg6[%swap3A], %swap3A_35 {strides = array<i32>} : memref<640xf32, #tpu.memory_space<vmem>>, vector<16xf32>,
    }
    %scan3A_9 = arith.constant 40 : i32
    %mul3A_10 = arith.constant 640 : i32
    %mul3A_11 = arith.muli %arg1, %mul3A_10 : i32
    "tpu.region"() ({
      %run_scoped3A = tpu.sem_alloc : memref<!tpu.dma_semaphore, #tpu.memory_space<semaphore_mem>>
      %dma_start3A = tpu.memref_slice %arg7[%mul3A_11] : memref<10240xf32, #tpu.memory_space<vmem_shared>> -> memref<640xf32, #tpu.memory_space<vmem_shared>>
      %dma_start3A_25 = tpu.memref_slice %arg7[%mul3A_11] : memref<10240xf32, #tpu.memory_space<vmem_shared>> -> memref<640xf32, #tpu.memory_space<vmem_shared>>
      tpu.enqueue_dma source(%arg6 : memref<640xf32, #tpu.memory_space<vmem>>) target(%dma_start3A_25 : memref<640xf32, #tpu.memory_space<vmem_shared>>) target_semaphore(%run_scoped3A : memref<!tpu.dma_semaphore, #tpu.memory_space<semaphore_mem>>)
      %dma_wait3A = tpu.memref_slice %arg7[%mul3A_11] : memref<10240xf32, #tpu.memory_space<vmem_shared>> -> memref<640xf32, #tpu.memory_space<vmem_shared>>
      %dma_wait3A_26 = tpu.memref_slice %arg7[%mul3A_11] : memref<10240xf32, #tpu.memory_space<vmem_shared>> -> memref<640xf32, #tpu.memory_space<vmem_shared>>
      tpu.wait_dma2 semaphore(%run_scoped3A : memref<!tpu.dma_semaphore, #tpu.memory_space<semaphore_mem>>) src(%arg6 : memref<640xf32, #tpu.memory_space<vmem>>) dst(%dma_wait3A_26 : memref<640xf32, #tpu.memory_space<vmem_shared>>)
      tpu.yield
    }) : () -> ()
    %barrier3A = arith.constant 0 : index
    tpu.barrier barrier_id(%barrier3A)
    "tpu.region"() ({
      %run_scoped3A = tpu.sem_alloc : memref<!tpu.dma_semaphore, #tpu.memory_space<semaphore_mem>>
      %dma_start3A = arith.constant 0 : i32
      %dma_start3A_25 = arith.constant 0 : i32
      %dma_start3A_26 = tpu.memref_slice %arg2[%add3A, %dma_start3A, %dma_start3A_25] : memref<32x125x80xi32, #tpu.memory_space<hbm>> -> memref<1x125x80xi32, #tpu.memory_space<hbm>>
      %dma_start3A_27 = tpu.memref_squeeze %dma_start3A_26 : memref<1x125x80xi32, #tpu.memory_space<hbm>> -> memref<125x80xi32, #tpu.memory_space<hbm>>
      %dma_start3A_28 = arith.constant 0 : i32
      %dma_start3A_29 = arith.constant 0 : i32
      %dma_start3A_30 = tpu.memref_slice %arg2[%add3A, %dma_start3A_28, %dma_start3A_29] : memref<32x125x80xi32, #tpu.memory_space<hbm>> -> memref<1x125x80xi32, #tpu.memory_space<hbm>>
      %dma_start3A_31 = tpu.memref_squeeze %dma_start3A_30 : memref<1x125x80xi32, #tpu.memory_space<hbm>> -> memref<125x80xi32, #tpu.memory_space<hbm>>
      tpu.enqueue_dma source(%dma_start3A_31 : memref<125x80xi32, #tpu.memory_space<hbm>>) target(%arg4 : memref<125x80xi32, #tpu.memory_space<vmem>>) target_semaphore(%run_scoped3A : memref<!tpu.dma_semaphore, #tpu.memory_space<semaphore_mem>>)
      %dma_wait3A = arith.constant 0 : i32
      %dma_wait3A_32 = arith.constant 0 : i32
      %dma_wait3A_33 = tpu.memref_slice %arg2[%add3A, %dma_wait3A, %dma_wait3A_32] : memref<32x125x80xi32, #tpu.memory_space<hbm>> -> memref<1x125x80xi32, #tpu.memory_space<hbm>>
      %dma_wait3A_34 = tpu.memref_squeeze %dma_wait3A_33 : memref<1x125x80xi32, #tpu.memory_space<hbm>> -> memref<125x80xi32, #tpu.memory_space<hbm>>
      %dma_wait3A_35 = arith.constant 0 : i32
      %dma_wait3A_36 = arith.constant 0 : i32
      %dma_wait3A_37 = tpu.memref_slice %arg2[%add3A, %dma_wait3A_35, %dma_wait3A_36] : memref<32x125x80xi32, #tpu.memory_space<hbm>> -> memref<1x125x80xi32, #tpu.memory_space<hbm>>
      %dma_wait3A_38 = tpu.memref_squeeze %dma_wait3A_37 : memref<1x125x80xi32, #tpu.memory_space<hbm>> -> memref<125x80xi32, #tpu.memory_space<hbm>>
      tpu.wait_dma2 semaphore(%run_scoped3A : memref<!tpu.dma_semaphore, #tpu.memory_space<semaphore_mem>>) src(%dma_wait3A_38 : memref<125x80xi32, #tpu.memory_space<hbm>>) dst(%arg4 : memref<125x80xi32, #tpu.memory_space<vmem>>)
      tpu.yield
    }) : () -> ()
    %scan3A_12 = arith.constant 0 : i32
    %scan3A_13 = arith.constant 125 : i32
    %scan3A_14 = arith.addi %scan3A_12, %scan3A_13 : i32
    %scan3A_15 = arith.constant 1 : i32
    scf.for %scan3A_25 = %scan3A_12 to %scan3A_14 step %scan3A_15  : i32 {
      %mul3A_26 = arith.constant 1 : i32
      %mul3A_27 = arith.muli %scan3A_25, %mul3A_26 : i32
      %add3A_28 = arith.constant 0 : i32
      %add3A_29 = arith.addi %add3A_28, %mul3A_27 : i32
      "tpu.region"() ({
        %run_scoped3A = tpu.sem_alloc : memref<!tpu.dma_semaphore, #tpu.memory_space<semaphore_mem>>
        %dma_start3A = arith.constant 0 : i32
        %dma_start3A_30 = tpu.memref_slice %arg4[%add3A_29, %dma_start3A] : memref<125x80xi32, #tpu.memory_space<vmem>> -> memref<1x80xi32, #tpu.memory_space<vmem>>
        %dma_start3A_31 = tpu.memref_squeeze %dma_start3A_30 : memref<1x80xi32, #tpu.memory_space<vmem>> -> memref<80xi32, #tpu.memory_space<vmem>>
        %dma_start3A_32 = arith.constant 0 : i32
        %dma_start3A_33 = tpu.memref_slice %arg7[%dma_start3A_32] : memref<10240xf32, #tpu.memory_space<vmem_shared>> -> memref<10240xf32, #tpu.memory_space<vmem_shared>>
        tpu.enqueue_indirect_dma source(%arg5 : memref<80xf32, #tpu.memory_space<vmem>>) target(%dma_start3A_33 : memref<10240xf32, #tpu.memory_space<vmem_shared>>) offsets(%dma_start3A_31 : memref<80xi32, #tpu.memory_space<vmem>>) semaphore(%run_scoped3A : memref<!tpu.dma_semaphore, #tpu.memory_space<semaphore_mem>>) {add = true}
        %dma_wait3A = arith.constant 0 : i32
        %dma_wait3A_34 = tpu.memref_slice %arg4[%add3A_29, %dma_wait3A] : memref<125x80xi32, #tpu.memory_space<vmem>> -> memref<1x80xi32, #tpu.memory_space<vmem>>
        %dma_wait3A_35 = tpu.memref_squeeze %dma_wait3A_34 : memref<1x80xi32, #tpu.memory_space<vmem>> -> memref<80xi32, #tpu.memory_space<vmem>>
        %dma_wait3A_36 = arith.constant 0 : i32
        %dma_wait3A_37 = tpu.memref_slice %arg7[%dma_wait3A_36] : memref<10240xf32, #tpu.memory_space<vmem_shared>> -> memref<10240xf32, #tpu.memory_space<vmem_shared>>
        tpu.wait_indirect_dma semaphore(%run_scoped3A : memref<!tpu.dma_semaphore, #tpu.memory_space<semaphore_mem>>) src(%arg5 : memref<80xf32, #tpu.memory_space<vmem>>) dst(%dma_wait3A_37 : memref<10240xf32, #tpu.memory_space<vmem_shared>>)
        tpu.yield
      }) : () -> ()
    }
    %scan3A_16 = arith.constant 125 : i32
    %barrier3A_17 = arith.constant 0 : index
    tpu.barrier barrier_id(%barrier3A_17)
    %mul3A_18 = arith.constant 640 : i32
    %mul3A_19 = arith.muli %arg1, %mul3A_18 : i32
    %mul3A_20 = arith.constant 10240 : i32
    %mul3A_21 = arith.muli %arg0, %mul3A_20 : i32
    %mul3A_22 = arith.constant 640 : i32
    %mul3A_23 = arith.muli %arg1, %mul3A_22 : i32
    %add3A_24 = arith.addi %mul3A_21, %mul3A_23 : i32
    "tpu.region"() ({
      %run_scoped3A = tpu.sem_alloc : memref<!tpu.dma_semaphore, #tpu.memory_space<semaphore_mem>>
      %dma_start3A = tpu.memref_slice %arg3[%add3A_24] : memref<20480xf32, #tpu.memory_space<hbm>> -> memref<640xf32, #tpu.memory_space<hbm>>
      %dma_start3A_25 = tpu.memref_slice %arg7[%mul3A_19] : memref<10240xf32, #tpu.memory_space<vmem_shared>> -> memref<640xf32, #tpu.memory_space<vmem_shared>>
      tpu.enqueue_dma source(%dma_start3A_25 : memref<640xf32, #tpu.memory_space<vmem_shared>>) target(%dma_start3A : memref<640xf32, #tpu.memory_space<hbm>>) target_semaphore(%run_scoped3A : memref<!tpu.dma_semaphore, #tpu.memory_space<semaphore_mem>>)
      %dma_wait3A = tpu.memref_slice %arg3[%add3A_24] : memref<20480xf32, #tpu.memory_space<hbm>> -> memref<640xf32, #tpu.memory_space<hbm>>
      %dma_wait3A_26 = tpu.memref_slice %arg7[%mul3A_19] : memref<10240xf32, #tpu.memory_space<vmem_shared>> -> memref<640xf32, #tpu.memory_space<vmem_shared>>
      tpu.wait_dma2 semaphore(%run_scoped3A : memref<!tpu.dma_semaphore, #tpu.memory_space<semaphore_mem>>) src(%dma_wait3A_26 : memref<640xf32, #tpu.memory_space<vmem_shared>>) dst(%dma_wait3A : memref<640xf32, #tpu.memory_space<hbm>>)
      tpu.yield
    }) : () -> ()
    return
  }
}

module attributes {stable_mosaic.version = 14 : i64} {
  func.func @_mm_scale_body(%arg0: i32, %arg1: memref<1024x128xf32, #tpu.memory_space<vmem>>, %arg2: memref<128x128xf32, #tpu.memory_space<vmem>>, %arg3: memref<2x1024x1xf32, #tpu.memory_space<vmem>>, %arg4: memref<1024x128xf32, #tpu.memory_space<vmem>>, %arg5: memref<1024x1xf32, #tpu.memory_space<vmem>>) attributes {dimension_semantics = [#tpu.dimension_semantics<arbitrary>], iteration_bounds = array<i64: 10>, scalar_prefetch = 0 : i64, scratch_operands = 0 : i64, tpu.core_type = #tpu.core_type<tc>, window_params = [{transform_indices = @transform_0, window_bounds = array<i64: 1024, 128>}, {pipeline_mode = #tpu.pipeline_mode<synchronous>, transform_indices = @transform_1, window_bounds = array<i64: 128, 128>}, {transform_indices = @transform_2, window_bounds = array<i64: 2, 1024, 1>}, {transform_indices = @transform_3, window_bounds = array<i64: 1024, 128>}, {transform_indices = @transform_4, window_bounds = array<i64: 1024, 1>}]} {
    %get3A = arith.constant 0 : index
    %get3A_0 = arith.constant 0 : index
    %get3A_1 = arith.constant 0 : index
    %get3A_2 = vector.load %arg3[%get3A, %get3A_0, %get3A_1] : memref<2x1024x1xf32, #tpu.memory_space<vmem>>, vector<1x1024x1xf32>
    %get3A_3 = vector.shape_cast %get3A_2 : vector<1x1024x1xf32> to vector<1024x1xf32>
    %get3A_4 = arith.constant 1 : index
    %get3A_5 = arith.constant 0 : index
    %get3A_6 = arith.constant 0 : index
    %get3A_7 = vector.load %arg3[%get3A_4, %get3A_5, %get3A_6] : memref<2x1024x1xf32, #tpu.memory_space<vmem>>, vector<1x1024x1xf32>
    %get3A_8 = vector.shape_cast %get3A_7 : vector<1x1024x1xf32> to vector<1024x1xf32>
    %add3A = arith.addf %get3A_3, %get3A_8 : vector<1024x1xf32>
    %add3A_9 = arith.constant 1.000000e+00 : f32
    %add3A_10 = vector.broadcast %add3A_9 : f32 to vector<1024x1xf32>
    %add3A_11 = arith.addf %add3A, %add3A_10 : vector<1024x1xf32>
    %rsqrt3A = math.rsqrt %add3A_11 : vector<1024x1xf32>
    %get3A_12 = arith.constant 0 : index
    %get3A_13 = arith.constant 0 : index
    %get3A_14 = vector.load %arg1[%get3A_12, %get3A_13] : memref<1024x128xf32, #tpu.memory_space<vmem>>, vector<1024x128xf32>
    %get3A_15 = arith.constant 0 : index
    %get3A_16 = arith.constant 0 : index
    %get3A_17 = vector.load %arg2[%get3A_15, %get3A_16] : memref<128x128xf32, #tpu.memory_space<vmem>>, vector<128x128xf32>
    %dot_general3A = arith.constant dense<0.000000e+00> : vector<1024x128xf32>
    %dot_general3A_18 = tpu.matmul %get3A_14, %get3A_17, %dot_general3A {dimension_numbers = #tpu.dot_dimension_numbers<[1], [0], [0], [1], [0, 0, 1, 1], [], []>, transpose_lhs_hint = false} : vector<1024x128xf32>, vector<128x128xf32>, vector<1024x128xf32> -> vector<1024x128xf32>
    %mul3A = vector.broadcast %rsqrt3A : vector<1024x1xf32> to vector<1024x128xf32>
    %mul3A_19 = arith.mulf %dot_general3A_18, %mul3A : vector<1024x128xf32>
    %swap3A = arith.constant 0 : index
    %swap3A_20 = arith.constant 0 : index
    %swap3A_21 = vector.load %arg4[%swap3A, %swap3A_20] : memref<1024x128xf32, #tpu.memory_space<vmem>>, vector<1024x128xf32>
    tpu.vector_store %arg4[%swap3A, %swap3A_20], %mul3A_19 {strides = array<i32>} : memref<1024x128xf32, #tpu.memory_space<vmem>>, vector<1024x128xf32>,
    %swap3A_22 = arith.constant 0 : index
    %swap3A_23 = arith.constant 0 : index
    %swap3A_24 = vector.load %arg5[%swap3A_22, %swap3A_23] : memref<1024x1xf32, #tpu.memory_space<vmem>>, vector<1024x1xf32>
    tpu.vector_store %arg5[%swap3A_22, %swap3A_23], %rsqrt3A {strides = array<i32>} : memref<1024x1xf32, #tpu.memory_space<vmem>>, vector<1024x1xf32>,
    return
  }
  func.func @transform_0(%arg0: i32) -> (i32, i32) {
    %c0_i32 = arith.constant 0 : i32
    %c0_i32_0 = arith.constant 0 : i32
    return %arg0, %c0_i32 : i32, i32
  }
  func.func @transform_1(%arg0: i32) -> (i32, i32) {
    %c0_i32 = arith.constant 0 : i32
    %c0_i32_0 = arith.constant 0 : i32
    %c0_i32_1 = arith.constant 0 : i32
    return %c0_i32, %c0_i32_0 : i32, i32
  }
  func.func @transform_2(%arg0: i32) -> (i32, i32, i32) {
    %c0_i32 = arith.constant 0 : i32
    %c0_i32_0 = arith.constant 0 : i32
    %c0_i32_1 = arith.constant 0 : i32
    return %c0_i32, %arg0, %c0_i32_0 : i32, i32, i32
  }
  func.func @transform_3(%arg0: i32) -> (i32, i32) {
    %c0_i32 = arith.constant 0 : i32
    %c0_i32_0 = arith.constant 0 : i32
    return %arg0, %c0_i32 : i32, i32
  }
  func.func @transform_4(%arg0: i32) -> (i32, i32) {
    %c0_i32 = arith.constant 0 : i32
    %c0_i32_0 = arith.constant 0 : i32
    return %arg0, %c0_i32 : i32, i32
  }
}

module attributes {stable_mosaic.version = 14 : i64} {
  func.func @_mid_body(%arg0: i32, %arg1: memref<1x1024x128xf32, #tpu.memory_space<vmem>>, %arg2: memref<1024x128xf32, #tpu.memory_space<vmem>>, %arg3: memref<1024x1xf32, #tpu.memory_space<vmem>>, %arg4: memref<1x128xf32, #tpu.memory_space<vmem>>, %arg5: memref<128x128xf32, #tpu.memory_space<vmem>>, %arg6: memref<1024x128xf32, #tpu.memory_space<vmem>>) attributes {dimension_semantics = [#tpu.dimension_semantics<arbitrary>], iteration_bounds = array<i64: 10>, scalar_prefetch = 0 : i64, scratch_operands = 0 : i64, tpu.core_type = #tpu.core_type<tc>, window_params = [{transform_indices = @transform_0, window_bounds = array<i64: 1, 1024, 128>}, {transform_indices = @transform_1, window_bounds = array<i64: 1024, 128>}, {transform_indices = @transform_2, window_bounds = array<i64: 1024, 1>}, {pipeline_mode = #tpu.pipeline_mode<synchronous>, transform_indices = @transform_3, window_bounds = array<i64: 1, 128>}, {pipeline_mode = #tpu.pipeline_mode<synchronous>, transform_indices = @transform_4, window_bounds = array<i64: 128, 128>}, {transform_indices = @transform_5, window_bounds = array<i64: 1024, 128>}]} {
    %get3A = arith.constant 0 : index
    %get3A_0 = arith.constant 0 : index
    %get3A_1 = vector.load %arg3[%get3A, %get3A_0] : memref<1024x1xf32, #tpu.memory_space<vmem>>, vector<1024x1xf32>
    %get3A_2 = arith.constant 0 : index
    %get3A_3 = arith.constant 0 : index
    %get3A_4 = arith.constant 0 : index
    %get3A_5 = vector.load %arg1[%get3A_2, %get3A_3, %get3A_4] : memref<1x1024x128xf32, #tpu.memory_space<vmem>>, vector<1x1024x128xf32>
    %get3A_6 = vector.shape_cast %get3A_5 : vector<1x1024x128xf32> to vector<1024x128xf32>
    %get3A_7 = arith.constant 0 : index
    %get3A_8 = arith.constant 0 : index
    %get3A_9 = vector.load %arg2[%get3A_7, %get3A_8] : memref<1024x128xf32, #tpu.memory_space<vmem>>, vector<1024x128xf32>
    %add3A = arith.addf %get3A_6, %get3A_9 : vector<1024x128xf32>
    %mul3A = vector.broadcast %get3A_1 : vector<1024x1xf32> to vector<1024x128xf32>
    %mul3A_10 = arith.mulf %add3A, %mul3A : vector<1024x128xf32>
    %get3A_11 = arith.constant 0 : index
    %get3A_12 = arith.constant 0 : index
    %get3A_13 = vector.load %arg4[%get3A_11, %get3A_12] : memref<1x128xf32, #tpu.memory_space<vmem>>, vector<1x128xf32>
    %add3A_14 = vector.broadcast %get3A_13 : vector<1x128xf32> to vector<1024x128xf32>
    %add3A_15 = arith.addf %mul3A_10, %add3A_14 : vector<1024x128xf32>
    %max3A = arith.constant 0.000000e+00 : f32
    %max3A_16 = vector.broadcast %max3A : f32 to vector<1024x128xf32>
    %max3A_17 = arith.maximumf %add3A_15, %max3A_16 : vector<1024x128xf32>
    %get3A_18 = arith.constant 0 : index
    %get3A_19 = arith.constant 0 : index
    %get3A_20 = vector.load %arg5[%get3A_18, %get3A_19] : memref<128x128xf32, #tpu.memory_space<vmem>>, vector<128x128xf32>
    %dot_general3A = arith.constant dense<0.000000e+00> : vector<1024x128xf32>
    %dot_general3A_21 = tpu.matmul %max3A_17, %get3A_20, %dot_general3A {dimension_numbers = #tpu.dot_dimension_numbers<[1], [0], [0], [1], [0, 0, 1, 1], [], []>, transpose_lhs_hint = false} : vector<1024x128xf32>, vector<128x128xf32>, vector<1024x128xf32> -> vector<1024x128xf32>
    %mul3A_22 = vector.broadcast %get3A_1 : vector<1024x1xf32> to vector<1024x128xf32>
    %mul3A_23 = arith.mulf %dot_general3A_21, %mul3A_22 : vector<1024x128xf32>
    %swap3A = arith.constant 0 : index
    %swap3A_24 = arith.constant 0 : index
    %swap3A_25 = vector.load %arg6[%swap3A, %swap3A_24] : memref<1024x128xf32, #tpu.memory_space<vmem>>, vector<1024x128xf32>
    tpu.vector_store %arg6[%swap3A, %swap3A_24], %mul3A_23 {strides = array<i32>} : memref<1024x128xf32, #tpu.memory_space<vmem>>, vector<1024x128xf32>,
    return
  }
  func.func @transform_0(%arg0: i32) -> (i32, i32, i32) {
    %jit3A = arith.constant 5 : i32
    %div3A = arith.divsi %arg0, %jit3A : i32
    %sign3A = arith.constant 0 : i32
    %sign3A_0 = arith.cmpi sgt, %arg0, %sign3A : i32
    %sign3A_1 = arith.extui %sign3A_0 : i1 to i32
    %sign3A_2 = arith.constant 0 : i32
    %sign3A_3 = arith.cmpi slt, %arg0, %sign3A_2 : i32
    %sign3A_4 = arith.extui %sign3A_3 : i1 to i32
    %sign3A_5 = arith.subi %sign3A_1, %sign3A_4 : i32
    %sign3A_6 = arith.constant 0 : i32
    %sign3A_7 = arith.cmpi sgt, %jit3A, %sign3A_6 : i32
    %sign3A_8 = arith.extui %sign3A_7 : i1 to i32
    %sign3A_9 = arith.constant 0 : i32
    %sign3A_10 = arith.cmpi slt, %jit3A, %sign3A_9 : i32
    %sign3A_11 = arith.extui %sign3A_10 : i1 to i32
    %sign3A_12 = arith.subi %sign3A_8, %sign3A_11 : i32
    %ne3A = arith.cmpi ne, %sign3A_5, %sign3A_12 : i32
    %rem3A = arith.remsi %arg0, %jit3A : i32
    %ne3A_13 = arith.constant 0 : i32
    %ne3A_14 = arith.cmpi ne, %rem3A, %ne3A_13 : i32
    %and3A = arith.andi %ne3A, %ne3A_14 : i1
    %sub3A = arith.constant 1 : i32
    %sub3A_15 = arith.subi %div3A, %sub3A : i32
    %select_n3A = arith.select %and3A, %sub3A_15, %div3A : i32
    %jit3A_16 = arith.constant 5 : i32
    %eq3A = arith.constant 0 : i32
    %eq3A_17 = arith.cmpi eq, %jit3A_16, %eq3A : i32
    %jit3A_18 = arith.constant 1 : i32
    %select_n3A_19 = arith.select %eq3A_17, %jit3A_18, %jit3A_16 : i32
    %rem3A_20 = arith.remsi %arg0, %select_n3A_19 : i32
    %ne3A_21 = arith.constant 0 : i32
    %ne3A_22 = arith.cmpi ne, %rem3A_20, %ne3A_21 : i32
    %lt3A = arith.constant 0 : i32
    %lt3A_23 = arith.cmpi slt, %rem3A_20, %lt3A : i32
    %lt3A_24 = arith.constant 0 : i32
    %lt3A_25 = arith.cmpi slt, %select_n3A_19, %lt3A_24 : i32
    %ne3A_26 = arith.xori %lt3A_23, %lt3A_25 : i1
    %and3A_27 = arith.andi %ne3A_26, %ne3A_22 : i1
    %add3A = arith.addi %rem3A_20, %select_n3A_19 : i32
    %select_n3A_28 = arith.select %and3A_27, %add3A, %rem3A_20 : i32
    %c0_i32 = arith.constant 0 : i32
    %c0_i32_29 = arith.constant 0 : i32
    return %select_n3A, %select_n3A_28, %c0_i32 : i32, i32, i32
  }
  func.func @transform_1(%arg0: i32) -> (i32, i32) {
    %c0_i32 = arith.constant 0 : i32
    %c0_i32_0 = arith.constant 0 : i32
    return %arg0, %c0_i32 : i32, i32
  }
  func.func @transform_2(%arg0: i32) -> (i32, i32) {
    %c0_i32 = arith.constant 0 : i32
    %c0_i32_0 = arith.constant 0 : i32
    return %arg0, %c0_i32 : i32, i32
  }
  func.func @transform_3(%arg0: i32) -> (i32, i32) {
    %c0_i32 = arith.constant 0 : i32
    %c0_i32_0 = arith.constant 0 : i32
    %c0_i32_1 = arith.constant 0 : i32
    return %c0_i32, %c0_i32_0 : i32, i32
  }
  func.func @transform_4(%arg0: i32) -> (i32, i32) {
    %c0_i32 = arith.constant 0 : i32
    %c0_i32_0 = arith.constant 0 : i32
    %c0_i32_1 = arith.constant 0 : i32
    return %c0_i32, %c0_i32_0 : i32, i32
  }
  func.func @transform_5(%arg0: i32) -> (i32, i32) {
    %c0_i32 = arith.constant 0 : i32
    %c0_i32_0 = arith.constant 0 : i32
    return %arg0, %c0_i32 : i32, i32
  }
}

module attributes {stable_mosaic.version = 14 : i64} {
  func.func @_final_body(%arg0: i32, %arg1: memref<1x1024x128xf32, #tpu.memory_space<vmem>>, %arg2: memref<1024x128xf32, #tpu.memory_space<vmem>>, %arg3: memref<1024x1xf32, #tpu.memory_space<vmem>>, %arg4: memref<1x128xf32, #tpu.memory_space<vmem>>, %arg5: memref<1024x128xf32, #tpu.memory_space<vmem>>) attributes {dimension_semantics = [#tpu.dimension_semantics<arbitrary>], iteration_bounds = array<i64: 10>, scalar_prefetch = 0 : i64, scratch_operands = 0 : i64, tpu.core_type = #tpu.core_type<tc>, window_params = [{transform_indices = @transform_0, window_bounds = array<i64: 1, 1024, 128>}, {transform_indices = @transform_1, window_bounds = array<i64: 1024, 128>}, {transform_indices = @transform_2, window_bounds = array<i64: 1024, 1>}, {pipeline_mode = #tpu.pipeline_mode<synchronous>, transform_indices = @transform_3, window_bounds = array<i64: 1, 128>}, {transform_indices = @transform_4, window_bounds = array<i64: 1024, 128>}]} {
    %get3A = arith.constant 0 : index
    %get3A_0 = arith.constant 0 : index
    %get3A_1 = arith.constant 0 : index
    %get3A_2 = vector.load %arg1[%get3A, %get3A_0, %get3A_1] : memref<1x1024x128xf32, #tpu.memory_space<vmem>>, vector<1x1024x128xf32>
    %get3A_3 = vector.shape_cast %get3A_2 : vector<1x1024x128xf32> to vector<1024x128xf32>
    %get3A_4 = arith.constant 0 : index
    %get3A_5 = arith.constant 0 : index
    %get3A_6 = vector.load %arg2[%get3A_4, %get3A_5] : memref<1024x128xf32, #tpu.memory_space<vmem>>, vector<1024x128xf32>
    %add3A = arith.addf %get3A_3, %get3A_6 : vector<1024x128xf32>
    %get3A_7 = arith.constant 0 : index
    %get3A_8 = arith.constant 0 : index
    %get3A_9 = vector.load %arg3[%get3A_7, %get3A_8] : memref<1024x1xf32, #tpu.memory_space<vmem>>, vector<1024x1xf32>
    %mul3A = vector.broadcast %get3A_9 : vector<1024x1xf32> to vector<1024x128xf32>
    %mul3A_10 = arith.mulf %add3A, %mul3A : vector<1024x128xf32>
    %get3A_11 = arith.constant 0 : index
    %get3A_12 = arith.constant 0 : index
    %get3A_13 = vector.load %arg4[%get3A_11, %get3A_12] : memref<1x128xf32, #tpu.memory_space<vmem>>, vector<1x128xf32>
    %add3A_14 = vector.broadcast %get3A_13 : vector<1x128xf32> to vector<1024x128xf32>
    %add3A_15 = arith.addf %mul3A_10, %add3A_14 : vector<1024x128xf32>
    %swap3A = arith.constant 0 : index
    %swap3A_16 = arith.constant 0 : index
    %swap3A_17 = vector.load %arg5[%swap3A, %swap3A_16] : memref<1024x128xf32, #tpu.memory_space<vmem>>, vector<1024x128xf32>
    tpu.vector_store %arg5[%swap3A, %swap3A_16], %add3A_15 {strides = array<i32>} : memref<1024x128xf32, #tpu.memory_space<vmem>>, vector<1024x128xf32>,
    return
  }
  func.func @transform_0(%arg0: i32) -> (i32, i32, i32) {
    %jit3A = arith.constant 5 : i32
    %div3A = arith.divsi %arg0, %jit3A : i32
    %sign3A = arith.constant 0 : i32
    %sign3A_0 = arith.cmpi sgt, %arg0, %sign3A : i32
    %sign3A_1 = arith.extui %sign3A_0 : i1 to i32
    %sign3A_2 = arith.constant 0 : i32
    %sign3A_3 = arith.cmpi slt, %arg0, %sign3A_2 : i32
    %sign3A_4 = arith.extui %sign3A_3 : i1 to i32
    %sign3A_5 = arith.subi %sign3A_1, %sign3A_4 : i32
    %sign3A_6 = arith.constant 0 : i32
    %sign3A_7 = arith.cmpi sgt, %jit3A, %sign3A_6 : i32
    %sign3A_8 = arith.extui %sign3A_7 : i1 to i32
    %sign3A_9 = arith.constant 0 : i32
    %sign3A_10 = arith.cmpi slt, %jit3A, %sign3A_9 : i32
    %sign3A_11 = arith.extui %sign3A_10 : i1 to i32
    %sign3A_12 = arith.subi %sign3A_8, %sign3A_11 : i32
    %ne3A = arith.cmpi ne, %sign3A_5, %sign3A_12 : i32
    %rem3A = arith.remsi %arg0, %jit3A : i32
    %ne3A_13 = arith.constant 0 : i32
    %ne3A_14 = arith.cmpi ne, %rem3A, %ne3A_13 : i32
    %and3A = arith.andi %ne3A, %ne3A_14 : i1
    %sub3A = arith.constant 1 : i32
    %sub3A_15 = arith.subi %div3A, %sub3A : i32
    %select_n3A = arith.select %and3A, %sub3A_15, %div3A : i32
    %jit3A_16 = arith.constant 5 : i32
    %eq3A = arith.constant 0 : i32
    %eq3A_17 = arith.cmpi eq, %jit3A_16, %eq3A : i32
    %jit3A_18 = arith.constant 1 : i32
    %select_n3A_19 = arith.select %eq3A_17, %jit3A_18, %jit3A_16 : i32
    %rem3A_20 = arith.remsi %arg0, %select_n3A_19 : i32
    %ne3A_21 = arith.constant 0 : i32
    %ne3A_22 = arith.cmpi ne, %rem3A_20, %ne3A_21 : i32
    %lt3A = arith.constant 0 : i32
    %lt3A_23 = arith.cmpi slt, %rem3A_20, %lt3A : i32
    %lt3A_24 = arith.constant 0 : i32
    %lt3A_25 = arith.cmpi slt, %select_n3A_19, %lt3A_24 : i32
    %ne3A_26 = arith.xori %lt3A_23, %lt3A_25 : i1
    %and3A_27 = arith.andi %ne3A_26, %ne3A_22 : i1
    %add3A = arith.addi %rem3A_20, %select_n3A_19 : i32
    %select_n3A_28 = arith.select %and3A_27, %add3A, %rem3A_20 : i32
    %c0_i32 = arith.constant 0 : i32
    %c0_i32_29 = arith.constant 0 : i32
    return %select_n3A, %select_n3A_28, %c0_i32 : i32, i32, i32
  }
  func.func @transform_1(%arg0: i32) -> (i32, i32) {
    %c0_i32 = arith.constant 0 : i32
    %c0_i32_0 = arith.constant 0 : i32
    return %arg0, %c0_i32 : i32, i32
  }
  func.func @transform_2(%arg0: i32) -> (i32, i32) {
    %c0_i32 = arith.constant 0 : i32
    %c0_i32_0 = arith.constant 0 : i32
    return %arg0, %c0_i32 : i32, i32
  }
  func.func @transform_3(%arg0: i32) -> (i32, i32) {
    %c0_i32 = arith.constant 0 : i32
    %c0_i32_0 = arith.constant 0 : i32
    %c0_i32_1 = arith.constant 0 : i32
    return %c0_i32, %c0_i32_0 : i32, i32
  }
  func.func @transform_4(%arg0: i32) -> (i32, i32) {
    %c0_i32 = arith.constant 0 : i32
    %c0_i32_0 = arith.constant 0 : i32
    return %arg0, %c0_i32 : i32, i32
  }
}

</mosaic_0001>

<sc_bundles>
// kernel: kernel.11.cloned.1.call-start
scs
__scs_entry_jumppad:
0x0: {  	(pc) =	sbr.rel $0x88, $3  }
0x1: {  	(tag) =	ssettag $0x0;
	lr =	simm.s32 $0x1  }
0x2: {  	[smem:$0x3F9B] =	sst lr;
	_ =	strace $0xD0000000  }
0x3: {  	_ = 	snop  }
0x4: {  	_ = 	snop  }
0x5: {  	_ = 	snop  }
0x6: {  	_ = 	snop  }
0x7: {  	_ = 	snop  }
__scs_overlays_trampoline_lowered:
0x8: {  	[smem:$0x3FAA] =	sst s0  }
0x9: {  	[smem:$0x3FAB] =	sst s1  }
0xa: {  	[smem:$0x3FAC] =	sst s2  }
0xb: {  	[smem:$0x3FAD] =	sst s3  }
0xc: {  	[smem:$0x3FAE] =	sst s4  }
0xd: {  	[smem:$0x3FAF] =	sst s5  }
0xe: {  	[smem:$0x3FB0] =	sst s6  }
0xf: {  	[smem:$0x3FB1] =	sst s7  }
0x10: {  	[smem:$0x3FB2] =	sst s8  }
0x11: {  	[smem:$0x3FB3] =	sst s9;
	s0 =	simm.s32 @!p0 $0x0  }
0x12: {  	s1 =	sld [smem:$0x3F99];
	s0 =	simm.s32 @p0 $0x1  }
0x13: {  	[smem:$0x3FB4] =	sst s0;
	s0 =	simm.s32 @!p1 $0x0  }
0x14: {  	s2 =	sld [smem:$0x3F98];
	s0 =	simm.s32 @p1 $0x1  }
0x15: {  	[smem:$0x3FB5] =	sst s0;
	s0 =	simm.s32 @!p2 $0x0  }
0x16: {  	s3 =	sld [smem:$0x3FDB];
	s0 =	simm.s32 @p2 $0x1  }
0x17: {  	s4 =	simm.s32 $0x1BF5;
	[smem:$0x3FB7] =	sst s0  }
0x18: {  	s0 =	sld [smem:$0x3F9A];
	_ =	swait.ge [sflag:s4], $0x0  }
0x19: {  	s7 =	sld [smem:$0x3F9B]  }
0x1a: {  	s8 =	sadd.s32 $0xFFFFE003, lr  }
0x1b: {  	s9 =	sadd.s32 $0xFFFFFEF7, lr;
	s5 =	simm.s32 $0xFFFFFFFF;
	p2 =	slt.u32 s8, $0xFFFFF086  }
0x1c: {  	p1 =	slt.u32 s9, $0xF7A;
	s5 =	simm.s32 @!p2 $0x0  }
0x1d: {  	s5 =	simm.s32 @p1 $0x1;
	p0 =	seq.s32 s7, s2  }
0x1e: {  	s7 =	smul.u32 @!p0 $0xF7A, s2;
	p2 =	seq.s32 @!p0 s5, $0x0  }
0x1f: {  	s9 =	smul.u32 $0xF7A, s1;
	s8 =	simm.s32 @!p0 $0x1BF5;
	p2 =	por !p2, p0  }
0x20: {  	[sflag:s8] =	ssyncset.s32 @!p0 $0xFFFFF086;
	s6 =	sadd.s32 @!p0 s3, s7;
	s7 =	simm.s32 @!p0 $0x108  }
0x21: {  	s3 =	sadd.s32 s3, s9;
	s6 =	sadd.s32 @!p0 $0x88, s6;
	s7 =	simm.s32 @p2 $0x1082  }
0x22: {  	[simem:s7], [sflag:s8] =	dma.local @!p0 [hbm:s6], $0xF7A  }
0x23: {  	s9 =	sor.u32 $0xD0000000, s2;
	s6 =	simm.s32 $0x108;
	_ =	swait.ge @!p0 [sflag:s8], $0x0  }
0x24: {  	s3 =	sadd.s32 $0x88, s3;
	s6 =	simm.s32 @!p1 $0x1082;
	[sflag:s4] =	ssyncset.s32 $0xFFFFF086  }
0x25: {  	[simem:s6], [sflag:s4] =	dma.local [hbm:s3], $0xF7A  }
0x26: {  	[smem:$0x3F9B] =	sst s1;
	(tag) =	ssettag s2;
	_ =	strace s9  }
0x27: {  	s1 =	sld [smem:$0x3FAB]  }
0x28: {  	s2 =	sld [smem:$0x3FAC]  }
0x29: {  	s4 =	sld [smem:$0x3FAE]  }
0x2a: {  	p0 =	seq.s32 s5, $0x0;
	s5 =	sld [smem:$0x3FAF]  }
0x2b: {  	s6 =	sld [smem:$0x3FB0]  }
0x2c: {  	s7 =	sld [smem:$0x3FB1]  }
0x2d: {  	s3 =	simm.s32 $0x108;
	s8 =	sld [smem:$0x3FB2]  }
0x2e: {  	s3 =	simm.s32 @!p0 $0x1082;
	s9 =	sld [smem:$0x3FB3]  }
0x2f: {  	lr =	sadd.s32 s0, s3;
	s0 =	sld [smem:$0x3FAA]  }
0x30: {  	s3 =	sld [smem:$0x3FAD]  }
0x31: {  	[smem:$0x3FB6] =	sst s10  }
0x32: {  	s10 =	sld [smem:$0x3FB4];
	_ =	sdelay $0x3  }
0x33: {  	p0 =	seq.s32 s10, $0x1;
	s10 =	sld [smem:$0x3FB6];
	_ =	sdelay $0x3  }
0x34: {  	[smem:$0x3FB6] =	sst s10  }
0x35: {  	s10 =	sld [smem:$0x3FB5];
	_ =	sdelay $0x3  }
0x36: {  	p1 =	seq.s32 s10, $0x1;
	s10 =	sld [smem:$0x3FB6];
	_ =	sdelay $0x3  }
0x37: {  	[smem:$0x3FB6] =	sst s10  }
0x38: {  	s10 =	sld [smem:$0x3FB7]  }
0x39: {  	_ = 	snop;
	(pc) =	sbr.ind lr, $3  }
0x3a: {  	_ = 	snop  }
0x3b: {  	_ = 	snop  }
0x3c: {  	p2 =	seq.s32 s10, $0x1;
	s10 =	sld [smem:$0x3FB6]  }
0x3d: {  	_ =	shalt  }
0x3e: {  	_ =	shalt  }
0x3f: {  	_ =	shalt  }
0x40: {  	_ =	shalt  }
0x41: {  	_ =	shalt  }
0x42: {  	_ =	shalt  }
0x43: {  	_ =	shalt  }
0x44: {  	_ =	shalt  }
0x45: {  	_ =	shalt  }
0x46: {  	_ =	shalt  }
0x47: {  	_ =	shalt  }
0x48: {  	_ =	shalt  }
0x49: {  	_ =	shalt  }
0x4a: {  	_ =	shalt  }
0x4b: {  	_ =	shalt  }
0x4c: {  	_ =	shalt  }
0x4d: {  	_ =	shalt  }
0x4e: {  	_ =	shalt  }
0x4f: {  	_ =	shalt  }
0x50: {  	_ =	shalt  }
0x51: {  	_ =	shalt  }
0x52: {  	_ =	shalt  }
0x53: {  	_ =	shalt  }
0x54: {  	_ =	shalt  }
0x55: {  	_ =	shalt  }
0x56: {  	_ =	shalt  }
0x57: {  	_ =	shalt  }
0x58: {  	_ =	shalt  }
0x59: {  	_ =	shalt  }
0x5a: {  	_ =	shalt  }
0x5b: {  	_ =	shalt  }
0x5c: {  	_ =	shalt  }
0x5d: {  	_ =	shalt  }
0x5e: {  	_ =	shalt  }
0x5f: {  	_ =	shalt  }
0x60: {  	_ =	shalt  }
0x61: {  	_ =	shalt  }
0x62: {  	_ =	shalt  }
0x63: {  	_ =	shalt  }
0x64: {  	_ =	shalt  }
0x65: {  	_ =	shalt  }
0x66: {  	_ =	shalt  }
0x67: {  	_ =	shalt  }
0x68: {  	_ =	shalt  }
0x69: {  	_ =	shalt  }
0x6a: {  	_ =	shalt  }
0x6b: {  	_ =	shalt  }
0x6c: {  	_ =	shalt  }
0x6d: {  	_ =	shalt  }
0x6e: {  	_ =	shalt  }
0x6f: {  	_ =	shalt  }
0x70: {  	_ =	shalt  }
0x71: {  	_ =	shalt  }
0x72: {  	_ =	shalt  }
0x73: {  	_ =	shalt  }
0x74: {  	_ =	shalt  }
0x75: {  	_ =	shalt  }
0x76: {  	_ =	shalt  }
0x77: {  	_ =	shalt  }
0x78: {  	_ =	shalt  }
0x79: {  	_ =	shalt  }
0x7a: {  	_ =	shalt  }
0x7b: {  	_ =	shalt  }
0x7c: {  	_ =	shalt  }
0x7d: {  	_ =	shalt  }
0x7e: {  	_ =	shalt  }
0x7f: {  	_ =	shalt  }
0x80: {  	_ =	shalt  }
0x81: {  	_ =	shalt  }
0x82: {  	_ =	shalt  }
0x83: {  	_ =	shalt  }
0x84: {  	_ =	shalt  }
0x85: {  	_ =	shalt  }
0x86: {  	_ =	shalt  }
0x87: {  	_ =	shalt  }
.Lfunc_end0:
.L_simem_size_0:
called_computation.1_lowered:
.L_overlay_start_0:
0x88: {  	s2 =	sld [smem:$0x3FD9]  }
0x89: {  	s3 =	sld [smem:$0x3FFE];
	_ =	sdelay $0x1  }
0x8a: {  	s1 =	srdreg.scid  }
0x8b: {  	s0 =	sand.u32 $0x1, s1  }
0x8c: {  	s16 =	sshll.u32 s0, $0xA;
	s2 =	sadd.s32 s3, s2  }
0x8d: {  	s2 =	sadd.s32 s2, s16  }
0x8e: {  	[smem:$0x3FC2] =	sst s2  }
0x8f: {  	_ = 	snop  }
0x90: {  	(tm) =	ssettm $0x1  }
0x91: {  	s17 =	sld [smem:$0x3FFB];
	_ =	sdelay $0x3  }
0x92: {  	_ =	strace s17  }
0x93: {  	s2 =	sld [smem:$0x3FFC];
	_ =	sdelay $0x3  }
0x94: {  	_ =	strace s2  }
0x95: {  	s2 =	sld [smem:$0x3FFD];
	_ =	sdelay $0x3  }
0x96: {  	_ =	strace s2  }
0x97: {  	_ =	strace $0x8FFFFFFF  }
0x98: {  	s18 =	sld [smem:$0x3FDB];
	_ =	sdelay $0x1  }
0x99: {  	s19 =	simm.s32 $_scs_section_size  }
0x9a: {  	s4 =	simm.s32 $_size__tile_overlayer_lowered;
	s5 =	simm.s32 $_tile_overlayer_lowered  }
0x9b: {  	s22 =	simm.s32 $0x1BFF;
	s21 =	sshll.u32 s5, $0x1;
	s2 =	sadd.s32 s19, s18  }
0x9c: {  	s6 =	simm.s32 $0x0;
	s20 =	sshll.u32 s4, $0x1;
	s4 =	sadd.s32 s21, s2  }
0x9d: {  	[timem:s6], [sflag:s22] =	dma.local [hbm:s4], s20  }
0x9e: {  	_ =	swait.ge [sflag:s22], s20  }
0x9f: {  	s3 =	ssub.s32 $0x0, s20;
	[sflag:s22] =	ssyncset.done $0x0  }
0xa0: {  	[sflag:s22] =	ssyncadd.s32 s3;
	_ =	sdelay $0x1  }
0xa1: {  	s23 =	simm.s32 $0x1B8B  }
0xa2: {  	_ =	swait.ge [sflag:s23], $0x1  }
0xa3: {  	[sflag:s23] =	ssyncset.done $0x0  }
0xa4: {  	s25 =	simm.s32 $0x1B8E;
	s24 =	sld [smem:$0x3FFE];
	[sflag:s23] =	ssyncadd.s32 $0xFFFFFFFF  }
0xa5: {  	s26 =	simm.s32 $execute0_lowered;
	[smem:$0x3FD2] =	sst s25  }
0xa6: {  	s4 =	sshll.u32 s26, $0x1;
	_ =	strace $0x80000049;
	[dreg:$0x1] =	wrdreg $0xFFFFFFFF  }
0xa7: {  	s28 =	simm.s32 $_size_execute0_lowered;
	s2 =	sadd.s32 s2, s4;
	[dreg:$0x0] =	wrdreg $0x0  }
0xa8: {  	s4 =	sshll.u32 s28, $0x1;
	[dreg:$0x2] =	wrdreg s2  }
0xa9: {  	[dreg:$0x3] =	wrdreg s4  }
0xaa: {  	[dreg:$0x4] =	wrdreg $0xC0  }
0xab: {  	_ =	task [dreg:s6], $0x5FFFF  }
0xac: {  	[dreg:$0x1] =	wrdreg $0xFFFFFFFF  }
0xad: {  	[dreg:$0x0] =	wrdreg $0x60  }
0xae: {  	[dreg:$0x2] =	wrdreg s24  }
0xaf: {  	[dreg:$0x3] =	wrdreg $0x120000  }
0xb0: {  	[dreg:$0x4] =	wrdreg $0x9  }
0xb1: {  	_ =	task.clear_ibuf [dreg:s6], $0x5FFFF;
	_ =	strace $0x90000049  }
0xb2: {  	s29 =	simm.s32 $0x9;
	_ =	strace $0x8000004B  }
0xb3: {  	_ =	swait.ge [sflag:s29], $0x1  }
0xb4: {  	[sflag:s29] =	ssyncadd.s32 $0xFFFFFFFF  }
0xb5: {  	_ =	strace $0x9000004B  }
0xb6: {  	_ =	sfence  }
0xb7: {  	s30 =	sld [smem:$0x0];
	_ =	sdelay $0x2  }
0xb8: {  	s31 =	sshll.u32 s1, $0xD;
	s1 =	sshrl.u32 s1, $0x2  }
0xb9: {  	s3 =	sand.u32 $0x4000, s31;
	s1 =	sadd.s32 s1, s30  }
0xba: {  	s0 =	sor.u32 s3, s0;
	s1 =	sshll.u32 s1, $0x11  }
0xbb: {  	s0 =	sor.u32 s1, s0  }
0xbc: {  	s0 =	sadd.s32 $0x8F2B, s0  }
0xbd: {  	[sflag:s0] =	ssyncadd.remote.s32 $0x1  }
0xbe: {  	_ =	sfence.sel $0xFFFF  }
0xbf: {  	[dreg:$0x0] =	wrdreg $0xFFFFFFFF;
	(pc) =	sbr.abs _section_cstart, $3  }
0xc0: {  	[dreg:$0x1] =	wrdreg $0xFFFFFFFF  }
0xc1: {  	_ =	task.clear_ibuf [dreg:s6], $0x2FFFF;
	_ =	strace $0x9FFFFFFF  }
0xc2: {  	(tm) =	ssettm $0x7FFFFFFF  }
0xc3: {  	_ =	shalt  }
tec
execute0_lowered:
.L_overlay_start_1:
0x0: {  	(tag) =	ssettag $0x1  }
0x1: {  	s5 =	rddreg [dreg:$0x0]  }
0x2: {  	s1 =	rddreg [dreg:$0x1];
	s2 =	srdreg.scid  }
0x3: {  	s0 =	rddreg [dreg:$0x2];
	s3 =	simm.s32 $0x0;
	s12 =	simm.s32 $0xA000  }
0x4: {  	s13 =	simm.s32 $0x3;
	s14 =	simm.s32 $0x5000;
	s15 =	simm.s32 $0x80  }
0x5: {  	s16 =	simm.s32 $0x1;
	s17 =	simm.s32 $0xE000;
	s6 =	sand.u32 $0x1, s2  }
0x6: {  	s18 =	simm.s32 $0x2;
	s2 =	stileid.u32;
	s7 =	smul.u32 $0xA0000, s6  }
0x7: {  	s19 =	simm.s32 $0x4E80;
	s22 =	simm.s32 $0x0;
	s8 =	smul.u32 $0xA000, s2  }
0x8: {  	[smem:$0x7FF] =	sst s3;
	s4 =	sadd.s32 $0x17200, s5;
	s9 =	smul.u32 $0xA00, s2  }
0x9: {  	_ =	strace $0x8000004A;
	s29 =	smul.u32 $0x28000, s2;
	s10 =	ssub.s32 $0x2, s6  }
0xa: {  	s20 =	smul.u32 $0x1400, s6;
	s30 =	sshrl.u32 s10, $0x1;
	s7 =	sadd.s32 s8, s7  }
0xb: {  	s9 =	sadd.s32 s9, s5;
	s31 =	sshrl.u32 s29, $0x2;
	s10 =	ssub.s32 s10, s30  }
0xc: {  	s21 =	sadd.s32 $0x1400, s20;
	v0 =	vmov s20;
	s20 =	simm.s32 $0x9E00;
	s7 =	sshrl.u32 s7, $0x3  }
0xd: {  	s8 =	sadd.s32 $0x3200, s9;
	s10 =	smax.u32 s10, $0x1;
	v1 =	vmov s21;
	s21 =	simm.s32 $0x9E80  }
0xe: {  	s11 =	sadd.s32 s7, s5;
	s5 =	sadd.s32 s31, s1;
	s7 =	sadd.s32 $0xD200, s9  }
0xf: {  	v2 =	vimm.f32 $0.0e+00;
	s6 =	sadd.s32 $0x8000, s5;
	s9 =	sadd.s32 $0x3F200, s11;
	s11 =	sadd.s32 $0x4000, s5  }
.LBB2_1:
0x10: {  	s23 =	simm.s32 $0x0;
	s24 =	simm.s32 $0x200  }
.LBB2_2:
0x11: {  	p0 =	sne.s32 s24, $0xFE00;
	[tilespmem:s23+$0xA070] =	vst v2  }
0x12: {  	[tilespmem:s23+$0xA000] =	vst v2  }
0x13: {  	[tilespmem:s23+$0xA010] =	vst v2  }
.Ltmp0:
0x14: {  	[tilespmem:s23+$0xA020] =	vst v2;
	(pc) =	sbr.rel @p0 .LBB2_2-.Ltmp0, $4  }
0x15: {  	[tilespmem:s23+$0xA030] =	vst v2  }
0x16: {  	[tilespmem:s23+$0xA040] =	vst v2  }
0x17: {  	[tilespmem:s23+$0xA050] =	vst v2  }
0x18: {  	[tilespmem:s23+$0xA060] =	vst v2;
	s23 =	sshra.s32 s24, $0x2;
	s24 =	sadd.s32 $0x200, s24  }
0x19: {  	[tilespmem:s23+$0xA070] =	vst v2  }
0x1a: {  	[tilespmem:s23+$0xA000] =	vst v2  }
0x1b: {  	[tilespmem:s23+$0xA010] =	vst v2  }
0x1c: {  	[tilespmem:s23+$0xA020] =	vst v2  }
0x1d: {  	[tilespmem:s23+$0xA030] =	vst v2  }
0x1e: {  	[tilespmem:s23+$0xA040] =	vst v2  }
0x1f: {  	[tilespmem:s23+$0xA050] =	vst v2  }
0x20: {  	[tilespmem:s23+$0xA060] =	vst v2  }
0x21: {  	[spmem:s5] =	stream.linear.scatter [tilespmem:s12], [sflag:$0x3], $0x4000, $0x38;
	[tilespmem:$0x1C200] =	vst v63  }
0x22: {  	_ =	swait.ge [sflag:s13], $0x4000  }
0x23: {  	[sflag:s13] =	ssyncset.done $0x0  }
0x24: {  	[sflag:s13] =	ssyncadd.s32 $0xFFFFC000  }
0x25: {  	[spmem:s11] =	stream.linear.scatter [tilespmem:s12], [sflag:$0x3], $0x4000, $0x38;
	[tilespmem:$0x1C200] =	vst v63  }
0x26: {  	_ =	swait.ge [sflag:s13], $0x4000  }
0x27: {  	[sflag:s13] =	ssyncset.done $0x0  }
0x28: {  	[sflag:s13] =	ssyncadd.s32 $0xFFFFC000  }
0x29: {  	[spmem:s6] =	stream.linear.scatter [tilespmem:s12], [sflag:$0x3], $0x2000, $0x38;
	[tilespmem:$0x1C200] =	vst v63  }
0x2a: {  	_ =	swait.ge [sflag:s13], $0x2000  }
0x2b: {  	[sflag:s13] =	ssyncset.done $0x0  }
0x2c: {  	[sflag:s13] =	ssyncadd.s32 $0xFFFFE000  }
0x2d: {  	[bflag:$0x0] =	sbarrier.arrive $0xFFFF  }
0x2e: {  	[tilespmem:s3], [sflag:$0x3] =	stream.linear.gather [hbm4b:s7+s3], $0x4F00, $0x38;
	[tilespmem:$0x1C200] =	vst v63  }
0x2f: {  	_ =	swait.ge [sflag:s13], $0x4F00  }
0x30: {  	[sflag:s13] =	ssyncset.done $0x0  }
0x31: {  	[sflag:s13] =	ssyncadd.s32 $0xFFFFB100  }
0x32: {  	[tilespmem:s14], [sflag:$0x3] =	stream.linear.gather [hbm4b:s8+s3], $0x4F00, $0x38;
	[tilespmem:$0x1C200] =	vst v63  }
0x33: {  	_ =	swait.ge [sflag:s13], $0x4F00  }
0x34: {  	[sflag:s13] =	ssyncset.done $0x0  }
0x35: {  	s24 =	simm.s32 $0x70;
	[sflag:s13] =	ssyncadd.s32 $0xFFFFB100  }
0x36: {  	v3 =	vld [tilespmem:s24+$0x4FD0]  }
0x37: {  	v4 =	vld [tilespmem:s24+$0x5000];
	_ =	sdelay $0x2  }
0x38: {  	v5 =	vld [tilespmem:s24+$0x4FC0];
	_ =	sdelay $0x1  }
0x39: {  	vm0 =	vge.s32 v4, v0;
	vm1 =	vge.s32 v3, v0  }
0x3a: {  	v6 =	vsub.s32 v3, v0;
	vm2 =	vlt.s32 v4, v1;
	vm3 =	vlt.s32 v3, v1  }
0x3b: {  	v7 =	vand.u32 $0x3F, v4;
	v3 =	vand.u32 $0x3F, v3;
	v4 =	vsub.s32 v4, v0  }
0x3c: {  	v8 =	vand.u32 $0x3F, v5;
	vm0 =	vmand vm0, vm2;
	v7 =	vor.u32 $0x1400, v7  }
0x3d: {  	v3 =	vor.u32 $0x1400, v3;
	v4 =	vsel vm0, v4, v7;
	vm0 =	vmand vm1, vm3  }
0x3e: {  	v9 =	vld [tilespmem:s24+$0x4FA0];
	vm1 =	vlt.s32 v5, v1;
	[tilespmem:s24+$0x5000] =	vst v4;
	v3 =	vsel vm0, v6, v3;
	vm0 =	vge.s32 v5, v0  }
0x3f: {  	v4 =	vor.u32 $0x1400, v8;
	[tilespmem:s24+$0x4FD0] =	vst v3;
	vm0 =	vmand vm0, vm1;
	v3 =	vsub.s32 v5, v0  }
0x40: {  	s23 =	simm.s32 $0xF0;
	v3 =	vsel vm0, v3, v4  }
0x41: {  	v6 =	vld [tilespmem:s23+$0x4FD0];
	[tilespmem:s24+$0x4FC0] =	vst v3  }
0x42: {  	v7 =	vld [tilespmem:s23+$0x5000]  }
0x43: {  	vm1 =	vlt.s32 v9, v1;
	vm0 =	vge.s32 v9, v0;
	v3 =	vand.u32 $0x3F, v9  }
0x44: {  	v5 =	vsub.s32 v9, v0;
	vm0 =	vmand vm0, vm1;
	v4 =	vor.u32 $0x1400, v3;
	v3 =	vld [tilespmem:s23+$0x4FC0]  }
0x45: {  	v4 =	vsel vm0, v5, v4  }
0x46: {  	v5 =	vld [tilespmem:s24+$0x4FB0];
	vm1 =	vge.s32 v6, v0;
	v8 =	vsub.s32 v6, v0;
	v11 =	vand.u32 $0x3F, v6  }
0x47: {  	[tilespmem:s24+$0x4FA0] =	vst v4;
	v4 =	vld [tilespmem:s24+$0x4FE0];
	vm3 =	vlt.s32 v6, v1;
	v13 =	vor.u32 $0x1400, v11;
	vm0 =	vge.s32 v7, v0  }
0x48: {  	v6 =	vld [tilespmem:s24+$0x4FF0];
	vm2 =	vlt.s32 v7, v1;
	v9 =	vand.u32 $0x3F, v7;
	v7 =	vsub.s32 v7, v0  }
0x49: {  	v10 =	vld [tilespmem:s23+$0x4FA0];
	v12 =	vand.u32 $0x3F, v3;
	vm0 =	vmand vm0, vm2;
	v9 =	vor.u32 $0x1400, v9  }
0x4a: {  	vm4 =	vge.s32 v3, v0;
	v7 =	vsel vm0, v7, v9;
	vm0 =	vmand vm1, vm3  }
0x4b: {  	vm2 =	vlt.s32 v3, v1;
	v11 =	vor.u32 $0x1400, v12;
	[tilespmem:s23+$0x5000] =	vst v7;
	v8 =	vsel vm0, v8, v13  }
0x4c: {  	vm3 =	vlt.s32 v5, v1;
	v9 =	vand.u32 $0x3F, v5;
	vm1 =	vge.s32 v4, v0;
	[tilespmem:s23+$0x4FD0] =	vst v8  }
0x4d: {  	vm4 =	vmand vm4, vm2;
	v7 =	vor.u32 $0x1400, v9;
	vm0 =	vge.s32 v6, v0;
	v9 =	vld [tilespmem:s24+$0x4F90]  }
0x4e: {  	s25 =	simm.s32 $0x5C0;
	v12 =	vand.u32 $0x3F, v10;
	vm2 =	vlt.s32 v6, v1;
	v8 =	vsub.s32 v4, v0  }
.LBB2_4:
0x4f: {  	s26 =	sshra.s32 s25, $0x2;
	p0 =	sne.s32 s25, $0x13BC0;
	s25 =	sadd.s32 $0x200, s25;
	vm5 =	vge.s32 v10, v0;
	vm6 =	vlt.s32 v10, v1;
	v13 =	vsub.s32 v6, v0  }
0x50: {  	v12 =	vor.u32 $0x1400, v12;
	v3 =	vsub.s32 v3, v0;
	vm7 =	vge.s32 v5, v0  }
0x51: {  	v10 =	vsub.s32 v10, v0;
	v3 =	vsel vm4, v3, v11;
	vm3 =	vmand vm7, vm3;
	v14 =	vld [tilespmem:s26+$0x4FD0]  }
0x52: {  	v5 =	vsub.s32 v5, v0;
	v11 =	vand.u32 $0x3F, v4;
	[tilespmem:s23+$0x4FC0] =	vst v3;
	vm4 =	vge.s32 v9, v0  }
0x53: {  	v6 =	vand.u32 $0x3F, v6;
	v16 =	vand.u32 $0x3F, v9;
	v17 =	vsub.s32 v9, v0;
	v15 =	vld [tilespmem:s26+$0x5000]  }
0x54: {  	vm5 =	vmand vm5, vm6;
	vm7 =	vlt.s32 v4, v1;
	vm6 =	vlt.s32 v9, v1  }
0x55: {  	v6 =	vor.u32 $0x1400, v6;
	v4 =	vsel vm5, v10, v12;
	vm1 =	vmand vm1, vm7;
	v3 =	vld [tilespmem:s26+$0x4FC0]  }
0x56: {  	vm0 =	vmand vm0, vm2;
	vm4 =	vmand vm4, vm6;
	[tilespmem:s23+$0x4FA0] =	vst v4;
	v4 =	vor.u32 $0x1400, v11  }
0x57: {  	v5 =	vsel vm3, v5, v7;
	v9 =	vor.u32 $0x1400, v16;
	v4 =	vsel vm1, v8, v4  }
0x58: {  	v6 =	vsel vm0, v13, v6;
	v7 =	vsel vm4, v17, v9;
	vm1 =	vge.s32 v15, v0;
	[tilespmem:s24+$0x4FB0] =	vst v5  }
0x59: {  	vm0 =	vge.s32 v14, v0;
	v8 =	vsub.s32 v14, v0;
	vm2 =	vlt.s32 v15, v1;
	v5 =	vld [tilespmem:s23+$0x4FB0];
	[tilespmem:s24+$0x4FE0] =	vst v4  }
0x5a: {  	vm3 =	vlt.s32 v14, v1;
	v9 =	vand.u32 $0x3F, v15;
	vm1 =	vmand vm1, vm2;
	v4 =	vld [tilespmem:s23+$0x4FE0];
	[tilespmem:s24+$0x4FF0] =	vst v6  }
0x5b: {  	v11 =	vand.u32 $0x3F, v14;
	v12 =	vsub.s32 v15, v0;
	v9 =	vor.u32 $0x1400, v9;
	v6 =	vld [tilespmem:s23+$0x4FF0];
	[tilespmem:s24+$0x4F90] =	vst v7;
	s24 =	smov.u32 s23;
	s23 =	smov.u32 s26  }
0x5c: {  	v13 =	vor.u32 $0x1400, v11;
	v9 =	vsel vm1, v12, v9;
	v7 =	vand.u32 $0x3F, v3;
	v10 =	vld [tilespmem:s23+$0x4FA0]  }
.Ltmp1:
0x5d: {  	vm0 =	vmand vm0, vm3;
	vm2 =	vlt.s32 v3, v1;
	[tilespmem:s23+$0x5000] =	vst v9;
	(pc) =	sbr.rel @p0 .LBB2_4-.Ltmp1, $4  }
0x5e: {  	v11 =	vor.u32 $0x1400, v7;
	vm3 =	vlt.s32 v5, v1;
	v7 =	vand.u32 $0x3F, v5  }
0x5f: {  	v8 =	vsel vm0, v8, v13;
	v7 =	vor.u32 $0x1400, v7;
	vm1 =	vge.s32 v4, v0  }
0x60: {  	vm4 =	vge.s32 v3, v0;
	[tilespmem:s23+$0x4FD0] =	vst v8;
	v9 =	vld [tilespmem:s24+$0x4F90];
	v8 =	vsub.s32 v4, v0;
	vm0 =	vge.s32 v6, v0  }
0x61: {  	vm4 =	vmand vm4, vm2;
	vm2 =	vlt.s32 v6, v1;
	v12 =	vand.u32 $0x3F, v10  }
0x62: {  	vm5 =	vge.s32 v10, v0  }
0x63: {  	vm6 =	vlt.s32 v10, v1;
	v12 =	vor.u32 $0x1400, v12;
	v3 =	vsub.s32 v3, v0  }
0x64: {  	vm7 =	vge.s32 v5, v0;
	v46 =	vsub.s32 v10, v0;
	v48 =	vand.u32 $0x3F, v4  }
0x65: {  	vm9 =	vlt.s32 v4, v1;
	v3 =	vsel vm4, v3, v11;
	vm8 =	vmand vm5, vm6  }
0x66: {  	vm3 =	vmand vm7, vm3;
	[tilespmem:s23+$0x4FC0] =	vst v3;
	v3 =	vsub.s32 v5, v0;
	v47 =	vsel vm8, v46, v12  }
0x67: {  	vm1 =	vmand vm1, vm9;
	v49 =	vor.u32 $0x1400, v48;
	[tilespmem:s23+$0x4FA0] =	vst v47;
	v3 =	vsel vm3, v3, v7  }
0x68: {  	v50 =	vand.u32 $0x3F, v6;
	vm0 =	vmand vm0, vm2;
	v4 =	vsel vm1, v8, v49;
	[tilespmem:s24+$0x4FB0] =	vst v3  }
0x69: {  	v5 =	vor.u32 $0x1400, v50;
	vm10 =	vge.s32 v9, v0;
	v3 =	vsub.s32 v6, v0;
	v51 =	vld [tilespmem:s23+$0x4FB0];
	[tilespmem:s24+$0x4FE0] =	vst v4  }
0x6a: {  	v52 =	vand.u32 $0x3F, v9;
	vm11 =	vlt.s32 v9, v1;
	v3 =	vsel vm0, v3, v5;
	v53 =	vld [tilespmem:s23+$0x4FE0]  }
0x6b: {  	v54 =	vsub.s32 v9, v0;
	vm12 =	vmand vm10, vm11;
	v4 =	vor.u32 $0x1400, v52;
	[tilespmem:s24+$0x4FF0] =	vst v3  }
0x6c: {  	v3 =	vsel vm12, v54, v4;
	v55 =	vld [tilespmem:s23+$0x4FF0]  }
0x6d: {  	[tilespmem:s24+$0x4F90] =	vst v3  }
0x6e: {  	v3 =	vld [tilespmem:s23+$0x4F90];
	v56 =	vand.u32 $0x3F, v51;
	vm13 =	vlt.s32 v51, v1;
	vm10 =	vge.s32 v51, v0  }
0x6f: {  	v6 =	vsub.s32 v51, v0;
	v7 =	vor.u32 $0x1400, v56;
	vm14 =	vge.s32 v53, v0  }
0x70: {  	v57 =	vsub.s32 v53, v0;
	vm0 =	vmand vm10, vm13;
	v59 =	vand.u32 $0x3F, v53  }
0x71: {  	vm13 =	vlt.s32 v53, v1;
	vm15 =	vge.s32 v55, v0;
	vm9 =	vlt.s32 v55, v1  }
0x72: {  	v58 =	vsub.s32 v55, v0;
	v4 =	vand.u32 $0x3F, v55;
	vm1 =	vmand vm14, vm13  }
0x73: {  	v62 =	vsel vm0, v6, v7;
	vm11 =	vge.s32 v3, v0;
	v60 =	vand.u32 $0x3F, v3  }
0x74: {  	v61 =	vsub.s32 v3, v0;
	vm12 =	vlt.s32 v3, v1;
	v3 =	vor.u32 $0x1400, v59  }
0x75: {  	v4 =	vor.u32 $0x1400, v4;
	vm14 =	vmand vm15, vm9;
	[tilespmem:s23+$0x4FB0] =	vst v62;
	v3 =	vsel vm1, v57, v3  }
0x76: {  	vm15 =	vmand vm11, vm12;
	v63 =	vor.u32 $0x1400, v60;
	v4 =	vsel vm14, v58, v4;
	[tilespmem:s23+$0x4FE0] =	vst v3  }
0x77: {  	v3 =	vsel vm15, v61, v63;
	[tilespmem:s23+$0x4FF0] =	vst v4  }
0x78: {  	s26 =	simm.s32 $0x0;
	[tilespmem:s23+$0x4F90] =	vst v3  }
0x79: {  	[tilespmem:s12], [sflag:$0x1] =	stream.indirect.gather [hbm4b:s4+s15], $0x80, s26, s15, $0xb8;
	[tilespmem:$0x1C200] =	vst v63  }
0x7a: {  	_ =	swait.ge [sflag:s16], $0x4000  }
0x7b: {  	[sflag:s16] =	ssyncset.done $0x0  }
0x7c: {  	s28 =	simm.s32 $0x80;
	[sflag:s16] =	ssyncadd.s32 $0xFFFFC000  }
0x7d: {  	[tilespmem:s17], [sflag:$0x2] =	stream.indirect.gather [hbm4b:s4+s15], $0x80, s28, s15, $0xb8;
	[tilespmem:$0x1C200] =	vst v63  }
0x7e: {  	s29 =	simm.s32 $0x5000  }
0x7f: {  	[spmem:s1] =	stream.indirect.scatter.add.f32 [tilespmem:s12], [sflag:$0x3], $0x80, s29, s15, $0xb8;
	[tilespmem:$0x1C200] =	vst v63  }
0x80: {  	_ =	swait.ge [sflag:s13], $0x4000  }
0x81: {  	[sflag:s13] =	ssyncset.done $0x0  }
0x82: {  	[sflag:s13] =	ssyncadd.s32 $0xFFFFC000  }
0x83: {  	_ =	swait.ge [sflag:s18], $0x4000  }
0x84: {  	[sflag:s18] =	ssyncset.done $0x0  }
0x85: {  	s30 =	simm.s32 $0x100;
	[sflag:s18] =	ssyncadd.s32 $0xFFFFC000  }
0x86: {  	[tilespmem:s12], [sflag:$0x1] =	stream.indirect.gather [hbm4b:s4+s15], $0x80, s30, s15, $0xb8;
	[tilespmem:$0x1C200] =	vst v63  }
0x87: {  	s31 =	simm.s32 $0x5080  }
0x88: {  	[spmem:s1] =	stream.indirect.scatter.add.f32 [tilespmem:s17], [sflag:$0x3], $0x80, s31, s15, $0xb8;
	[tilespmem:$0x1C200] =	vst v63  }
0x89: {  	_ =	swait.ge [sflag:s13], $0x4000  }
0x8a: {  	s23 =	simm.s32 $0x400;
	[sflag:s13] =	ssyncset.done $0x0  }
.LBB2_6:
0x8b: {  	p0 =	sne.s32 s23, $0x13400  }
0x8c: {  	[sflag:s13] =	ssyncadd.s32 $0xFFFFC000;
	s24 =	smov.u32 s23;
	s23 =	sadd.s32 $0x400, s23  }
0x8d: {  	_ = 	snop  }
0x8e: {  	_ =	swait.ge [sflag:s16], $0x4000  }
0x8f: {  	s24 =	sshra.s32 s24, $0x2;
	[sflag:s16] =	ssyncset.done $0x0  }
0x90: {  	s25 =	sadd.s32 $0x80, s24;
	[sflag:s16] =	ssyncadd.s32 $0xFFFFC000  }
0x91: {  	[tilespmem:s17], [sflag:$0x2] =	stream.indirect.gather [hbm4b:s4+s15], $0x80, s25, s15, $0xb8;
	[tilespmem:$0x1C200] =	vst v63  }
0x92: {  	s25 =	sadd.s32 $0x5000, s24  }
0x93: {  	[spmem:s1] =	stream.indirect.scatter.add.f32 [tilespmem:s12], [sflag:$0x3], $0x80, s25, s15, $0xb8;
	[tilespmem:$0x1C200] =	vst v63  }
0x94: {  	_ =	swait.ge [sflag:s13], $0x4000  }
0x95: {  	[sflag:s13] =	ssyncset.done $0x0  }
0x96: {  	[sflag:s13] =	ssyncadd.s32 $0xFFFFC000  }
0x97: {  	_ =	swait.ge [sflag:s18], $0x4000  }
0x98: {  	[sflag:s18] =	ssyncset.done $0x0  }
0x99: {  	s25 =	sadd.s32 $0x100, s24;
	[sflag:s18] =	ssyncadd.s32 $0xFFFFC000  }
0x9a: {  	[tilespmem:s12], [sflag:$0x1] =	stream.indirect.gather [hbm4b:s4+s15], $0x80, s25, s15, $0xb8;
	[tilespmem:$0x1C200] =	vst v63  }
.Ltmp2:
0x9b: {  	_ = 	snop;
	(pc) =	sbr.rel @p0 .LBB2_6-.Ltmp2, $4  }
0x9c: {  	s24 =	sadd.s32 $0x5080, s24  }
0x9d: {  	[spmem:s1] =	stream.indirect.scatter.add.f32 [tilespmem:s17], [sflag:$0x3], $0x80, s24, s15, $0xb8;
	[tilespmem:$0x1C200] =	vst v63  }
0x9e: {  	_ =	swait.ge [sflag:s13], $0x4000  }
0x9f: {  	[sflag:s13] =	ssyncset.done $0x0  }
0xa0: {  	[sflag:s13] =	ssyncadd.s32 $0xFFFFC000  }
0xa1: {  	_ =	swait.ge [sflag:s16], $0x4000  }
0xa2: {  	[sflag:s16] =	ssyncset.done $0x0  }
0xa3: {  	[sflag:s16] =	ssyncadd.s32 $0xFFFFC000  }
0xa4: {  	[tilespmem:s17], [sflag:$0x2] =	stream.indirect.gather [hbm4b:s4+s15], $0x80, s19, s15, $0xb8;
	[tilespmem:$0x1C200] =	vst v63  }
0xa5: {  	_ = 	snop  }
0xa6: {  	[spmem:s1] =	stream.indirect.scatter.add.f32 [tilespmem:s12], [sflag:$0x3], $0x80, s20, s15, $0xb8;
	[tilespmem:$0x1C200] =	vst v63  }
0xa7: {  	_ =	swait.ge [sflag:s13], $0x4000  }
0xa8: {  	[sflag:s13] =	ssyncset.done $0x0  }
0xa9: {  	[sflag:s13] =	ssyncadd.s32 $0xFFFFC000  }
0xaa: {  	_ =	swait.ge [sflag:s18], $0x4000  }
0xab: {  	[sflag:s18] =	ssyncset.done $0x0  }
0xac: {  	[sflag:s18] =	ssyncadd.s32 $0xFFFFC000  }
0xad: {  	[spmem:s1] =	stream.indirect.scatter.add.f32 [tilespmem:s17], [sflag:$0x3], $0x80, s21, s15, $0xb8;
	[tilespmem:$0x1C200] =	vst v63  }
0xae: {  	_ =	swait.ge [sflag:s13], $0x4000  }
0xaf: {  	s23 =	sshll.u32 s2, $0x6;
	s22 =	sadd.s32 $0x1, s22;
	[sflag:s13] =	ssyncset.done $0x0  }
0xb0: {  	s24 =	sshrl.u32 s5, $0x3;
	p0 =	sne.s32 s22, s10;
	[sflag:s13] =	ssyncadd.s32 $0xFFFFC000  }
.Ltmp3:
0xb1: {  	s23 =	sor.u32 $0x1C03, s23;
	[bflag:$0x0] =	sbarrier.arrive $0xFFFF;
	(pc) =	sbr.rel @p0 .LBB2_1-.Ltmp3, $4  }
0xb2: {  	[hbm:s9], [sflag:s23] =	dma.local [spmem:s24], $0x1400  }
0xb3: {  	_ =	swait.ge [sflag:s13], $0x1400  }
0xb4: {  	[sflag:s13] =	ssyncset.done $0x0  }
0xb5: {  	[sflag:s13] =	ssyncadd.s32 $0xFFFFEC00  }
0xb6: {  	_ =	sfence.sel $0x180000  }
0xb7: {  	[bflag:$0x0] =	sbarrier.arrive $0xFFFF  }
0xb8: {  	p0 =	sne.s32 s2, $0x0;
	_ =	strace $0x9000004A  }
0xb9: {  	s0 =	sadd.s32 @!p0 $0x100000, s0;
	[bflag:$0x2] =	sbarrier.arrive $0xFFFF  }
0xba: {  	[sflag:s0] =	ssyncadd.tile.s32 @!p0 $0x1;
	_ =	shalt  }
.Lfunc_end2:
_tile_overlayer_lowered:
.L_overlay_start_2:
0xbb: {  	(tag) =	ssettag $0x2  }
0xbc: {  	s0 =	rddreg [dreg:$0x0];
	s2 =	stileid.u32  }
0xbd: {  	s1 =	rddreg [dreg:$0x1];
	p0 =	sne.s32 s2, $0x0  }
0xbe: {  	s3 =	rddreg [dreg:$0x2];
	[bflag:$0x3] =	sbarrier.arrive $0xFFFF;
	s2 =	simm.s32 @!p0 $0x1C03  }
0xbf: {  	[timem:s3], [sflag:s2] =	dma.local @!p0 [hbm:s0], s1  }
0xc0: {  	s0 =	simm.s32 @!p0 $0x3  }
0xc1: {  	_ =	swait.ge @!p0 [sflag:s0], s1  }
0xc2: {  	s1 =	ssub.s32 @!p0 $0x0, s1;
	[sflag:s0] =	ssyncset.done @!p0 $0x0  }
0xc3: {  	[sflag:s0] =	ssyncadd.s32 @!p0 s1  }
0xc4: {  	[bflag:$0x3] =	sbarrier.arrive $0xFFFF  }
0xc5: {  	_ =	shalt  }

// kernel: kernel.14.cloned.1.call-start
scs
__scs_entry_jumppad:
0x0: {  	(pc) =	sbr.rel $0x88, $3  }
0x1: {  	(tag) =	ssettag $0x0;
	lr =	simm.s32 $0x1  }
0x2: {  	[smem:$0x3F9B] =	sst lr;
	_ =	strace $0xD0000000  }
0x3: {  	_ = 	snop  }
0x4: {  	_ = 	snop  }
0x5: {  	_ = 	snop  }
0x6: {  	_ = 	snop  }
0x7: {  	_ = 	snop  }
__scs_overlays_trampoline_lowered:
0x8: {  	[smem:$0x3FAA] =	sst s0  }
0x9: {  	[smem:$0x3FAB] =	sst s1  }
0xa: {  	[smem:$0x3FAC] =	sst s2  }
0xb: {  	[smem:$0x3FAD] =	sst s3  }
0xc: {  	[smem:$0x3FAE] =	sst s4  }
0xd: {  	[smem:$0x3FAF] =	sst s5  }
0xe: {  	[smem:$0x3FB0] =	sst s6  }
0xf: {  	[smem:$0x3FB1] =	sst s7  }
0x10: {  	[smem:$0x3FB2] =	sst s8  }
0x11: {  	[smem:$0x3FB3] =	sst s9;
	s0 =	simm.s32 @!p0 $0x0  }
0x12: {  	s1 =	sld [smem:$0x3F99];
	s0 =	simm.s32 @p0 $0x1  }
0x13: {  	[smem:$0x3FB4] =	sst s0;
	s0 =	simm.s32 @!p1 $0x0  }
0x14: {  	s2 =	sld [smem:$0x3F98];
	s0 =	simm.s32 @p1 $0x1  }
0x15: {  	[smem:$0x3FB5] =	sst s0;
	s0 =	simm.s32 @!p2 $0x0  }
0x16: {  	s3 =	sld [smem:$0x3FDB];
	s0 =	simm.s32 @p2 $0x1  }
0x17: {  	s4 =	simm.s32 $0x1BF5;
	[smem:$0x3FB7] =	sst s0  }
0x18: {  	s0 =	sld [smem:$0x3F9A];
	_ =	swait.ge [sflag:s4], $0x0  }
0x19: {  	s7 =	sld [smem:$0x3F9B]  }
0x1a: {  	s8 =	sadd.s32 $0xFFFFE003, lr  }
0x1b: {  	s9 =	sadd.s32 $0xFFFFFEF7, lr;
	s5 =	simm.s32 $0xFFFFFFFF;
	p2 =	slt.u32 s8, $0xFFFFF086  }
0x1c: {  	p1 =	slt.u32 s9, $0xF7A;
	s5 =	simm.s32 @!p2 $0x0  }
0x1d: {  	s5 =	simm.s32 @p1 $0x1;
	p0 =	seq.s32 s7, s2  }
0x1e: {  	s7 =	smul.u32 @!p0 $0xF7A, s2;
	p2 =	seq.s32 @!p0 s5, $0x0  }
0x1f: {  	s9 =	smul.u32 $0xF7A, s1;
	s8 =	simm.s32 @!p0 $0x1BF5;
	p2 =	por !p2, p0  }
0x20: {  	[sflag:s8] =	ssyncset.s32 @!p0 $0xFFFFF086;
	s6 =	sadd.s32 @!p0 s3, s7;
	s7 =	simm.s32 @!p0 $0x108  }
0x21: {  	s3 =	sadd.s32 s3, s9;
	s6 =	sadd.s32 @!p0 $0x88, s6;
	s7 =	simm.s32 @p2 $0x1082  }
0x22: {  	[simem:s7], [sflag:s8] =	dma.local @!p0 [hbm:s6], $0xF7A  }
0x23: {  	s9 =	sor.u32 $0xD0000000, s2;
	s6 =	simm.s32 $0x108;
	_ =	swait.ge @!p0 [sflag:s8], $0x0  }
0x24: {  	s3 =	sadd.s32 $0x88, s3;
	s6 =	simm.s32 @!p1 $0x1082;
	[sflag:s4] =	ssyncset.s32 $0xFFFFF086  }
0x25: {  	[simem:s6], [sflag:s4] =	dma.local [hbm:s3], $0xF7A  }
0x26: {  	[smem:$0x3F9B] =	sst s1;
	(tag) =	ssettag s2;
	_ =	strace s9  }
0x27: {  	s1 =	sld [smem:$0x3FAB]  }
0x28: {  	s2 =	sld [smem:$0x3FAC]  }
0x29: {  	s4 =	sld [smem:$0x3FAE]  }
0x2a: {  	p0 =	seq.s32 s5, $0x0;
	s5 =	sld [smem:$0x3FAF]  }
0x2b: {  	s6 =	sld [smem:$0x3FB0]  }
0x2c: {  	s7 =	sld [smem:$0x3FB1]  }
0x2d: {  	s3 =	simm.s32 $0x108;
	s8 =	sld [smem:$0x3FB2]  }
0x2e: {  	s3 =	simm.s32 @!p0 $0x1082;
	s9 =	sld [smem:$0x3FB3]  }
0x2f: {  	lr =	sadd.s32 s0, s3;
	s0 =	sld [smem:$0x3FAA]  }
0x30: {  	s3 =	sld [smem:$0x3FAD]  }
0x31: {  	[smem:$0x3FB6] =	sst s10  }
0x32: {  	s10 =	sld [smem:$0x3FB4];
	_ =	sdelay $0x3  }
0x33: {  	p0 =	seq.s32 s10, $0x1;
	s10 =	sld [smem:$0x3FB6];
	_ =	sdelay $0x3  }
0x34: {  	[smem:$0x3FB6] =	sst s10  }
0x35: {  	s10 =	sld [smem:$0x3FB5];
	_ =	sdelay $0x3  }
0x36: {  	p1 =	seq.s32 s10, $0x1;
	s10 =	sld [smem:$0x3FB6];
	_ =	sdelay $0x3  }
0x37: {  	[smem:$0x3FB6] =	sst s10  }
0x38: {  	s10 =	sld [smem:$0x3FB7]  }
0x39: {  	_ = 	snop;
	(pc) =	sbr.ind lr, $3  }
0x3a: {  	_ = 	snop  }
0x3b: {  	_ = 	snop  }
0x3c: {  	p2 =	seq.s32 s10, $0x1;
	s10 =	sld [smem:$0x3FB6]  }
0x3d: {  	_ =	shalt  }
0x3e: {  	_ =	shalt  }
0x3f: {  	_ =	shalt  }
0x40: {  	_ =	shalt  }
0x41: {  	_ =	shalt  }
0x42: {  	_ =	shalt  }
0x43: {  	_ =	shalt  }
0x44: {  	_ =	shalt  }
0x45: {  	_ =	shalt  }
0x46: {  	_ =	shalt  }
0x47: {  	_ =	shalt  }
0x48: {  	_ =	shalt  }
0x49: {  	_ =	shalt  }
0x4a: {  	_ =	shalt  }
0x4b: {  	_ =	shalt  }
0x4c: {  	_ =	shalt  }
0x4d: {  	_ =	shalt  }
0x4e: {  	_ =	shalt  }
0x4f: {  	_ =	shalt  }
0x50: {  	_ =	shalt  }
0x51: {  	_ =	shalt  }
0x52: {  	_ =	shalt  }
0x53: {  	_ =	shalt  }
0x54: {  	_ =	shalt  }
0x55: {  	_ =	shalt  }
0x56: {  	_ =	shalt  }
0x57: {  	_ =	shalt  }
0x58: {  	_ =	shalt  }
0x59: {  	_ =	shalt  }
0x5a: {  	_ =	shalt  }
0x5b: {  	_ =	shalt  }
0x5c: {  	_ =	shalt  }
0x5d: {  	_ =	shalt  }
0x5e: {  	_ =	shalt  }
0x5f: {  	_ =	shalt  }
0x60: {  	_ =	shalt  }
0x61: {  	_ =	shalt  }
0x62: {  	_ =	shalt  }
0x63: {  	_ =	shalt  }
0x64: {  	_ =	shalt  }
0x65: {  	_ =	shalt  }
0x66: {  	_ =	shalt  }
0x67: {  	_ =	shalt  }
0x68: {  	_ =	shalt  }
0x69: {  	_ =	shalt  }
0x6a: {  	_ =	shalt  }
0x6b: {  	_ =	shalt  }
0x6c: {  	_ =	shalt  }
0x6d: {  	_ =	shalt  }
0x6e: {  	_ =	shalt  }
0x6f: {  	_ =	shalt  }
0x70: {  	_ =	shalt  }
0x71: {  	_ =	shalt  }
0x72: {  	_ =	shalt  }
0x73: {  	_ =	shalt  }
0x74: {  	_ =	shalt  }
0x75: {  	_ =	shalt  }
0x76: {  	_ =	shalt  }
0x77: {  	_ =	shalt  }
0x78: {  	_ =	shalt  }
0x79: {  	_ =	shalt  }
0x7a: {  	_ =	shalt  }
0x7b: {  	_ =	shalt  }
0x7c: {  	_ =	shalt  }
0x7d: {  	_ =	shalt  }
0x7e: {  	_ =	shalt  }
0x7f: {  	_ =	shalt  }
0x80: {  	_ =	shalt  }
0x81: {  	_ =	shalt  }
0x82: {  	_ =	shalt  }
0x83: {  	_ =	shalt  }
0x84: {  	_ =	shalt  }
0x85: {  	_ =	shalt  }
0x86: {  	_ =	shalt  }
0x87: {  	_ =	shalt  }
.Lfunc_end0:
.L_simem_size_0:
called_computation.2_lowered:
.L_overlay_start_0:
0x88: {  	s2 =	sld [smem:$0x3FD9]  }
0x89: {  	s3 =	sld [smem:$0x3FFE];
	_ =	sdelay $0x1  }
0x8a: {  	s1 =	srdreg.scid  }
0x8b: {  	s0 =	sand.u32 $0x1, s1  }
0x8c: {  	s16 =	sshll.u32 s0, $0xA;
	s2 =	sadd.s32 s3, s2  }
0x8d: {  	s2 =	sadd.s32 s2, s16  }
0x8e: {  	[smem:$0x3FC2] =	sst s2  }
0x8f: {  	_ = 	snop  }
0x90: {  	(tm) =	ssettm $0x1  }
0x91: {  	s17 =	sld [smem:$0x3FFB];
	_ =	sdelay $0x3  }
0x92: {  	_ =	strace s17  }
0x93: {  	s2 =	sld [smem:$0x3FFC];
	_ =	sdelay $0x3  }
0x94: {  	_ =	strace s2  }
0x95: {  	s2 =	sld [smem:$0x3FFD];
	_ =	sdelay $0x3  }
0x96: {  	_ =	strace s2  }
0x97: {  	_ =	strace $0x8FFFFFFF  }
0x98: {  	s18 =	sld [smem:$0x3FDB];
	_ =	sdelay $0x1  }
0x99: {  	s19 =	simm.s32 $_scs_section_size  }
0x9a: {  	s4 =	simm.s32 $_size__tile_overlayer_lowered;
	s5 =	simm.s32 $_tile_overlayer_lowered  }
0x9b: {  	s22 =	simm.s32 $0x1BFF;
	s21 =	sshll.u32 s5, $0x1;
	s2 =	sadd.s32 s19, s18  }
0x9c: {  	s6 =	simm.s32 $0x0;
	s20 =	sshll.u32 s4, $0x1;
	s4 =	sadd.s32 s21, s2  }
0x9d: {  	[timem:s6], [sflag:s22] =	dma.local [hbm:s4], s20  }
0x9e: {  	_ =	swait.ge [sflag:s22], s20  }
0x9f: {  	s3 =	ssub.s32 $0x0, s20;
	[sflag:s22] =	ssyncset.done $0x0  }
0xa0: {  	[sflag:s22] =	ssyncadd.s32 s3;
	_ =	sdelay $0x1  }
0xa1: {  	s23 =	simm.s32 $0x1B8B  }
0xa2: {  	_ =	swait.ge [sflag:s23], $0x1  }
0xa3: {  	[sflag:s23] =	ssyncset.done $0x0  }
0xa4: {  	s25 =	simm.s32 $0x1B8E;
	s24 =	sld [smem:$0x3FFE];
	[sflag:s23] =	ssyncadd.s32 $0xFFFFFFFF  }
0xa5: {  	s26 =	simm.s32 $execute0_lowered;
	[smem:$0x3FD2] =	sst s25  }
0xa6: {  	s4 =	sshll.u32 s26, $0x1;
	_ =	strace $0x8000004C;
	[dreg:$0x1] =	wrdreg $0xFFFFFFFF  }
0xa7: {  	s28 =	simm.s32 $_size_execute0_lowered;
	s2 =	sadd.s32 s2, s4;
	[dreg:$0x0] =	wrdreg $0x0  }
0xa8: {  	s4 =	sshll.u32 s28, $0x1;
	[dreg:$0x2] =	wrdreg s2  }
0xa9: {  	[dreg:$0x3] =	wrdreg s4  }
0xaa: {  	[dreg:$0x4] =	wrdreg $0xC0  }
0xab: {  	_ =	task [dreg:s6], $0x5FFFF  }
0xac: {  	[dreg:$0x1] =	wrdreg $0xFFFFFFFF  }
0xad: {  	[dreg:$0x0] =	wrdreg $0x60  }
0xae: {  	[dreg:$0x2] =	wrdreg s24  }
0xaf: {  	[dreg:$0x3] =	wrdreg $0x120000  }
0xb0: {  	[dreg:$0x4] =	wrdreg $0x9  }
0xb1: {  	_ =	task.clear_ibuf [dreg:s6], $0x5FFFF;
	_ =	strace $0x9000004C  }
0xb2: {  	s29 =	simm.s32 $0x9;
	_ =	strace $0x8000004E  }
0xb3: {  	_ =	swait.ge [sflag:s29], $0x1  }
0xb4: {  	[sflag:s29] =	ssyncadd.s32 $0xFFFFFFFF  }
0xb5: {  	_ =	strace $0x9000004E  }
0xb6: {  	_ =	sfence  }
0xb7: {  	s30 =	sld [smem:$0x0];
	_ =	sdelay $0x2  }
0xb8: {  	s31 =	sshll.u32 s1, $0xD;
	s1 =	sshrl.u32 s1, $0x2  }
0xb9: {  	s3 =	sand.u32 $0x4000, s31;
	s1 =	sadd.s32 s1, s30  }
0xba: {  	s0 =	sor.u32 s3, s0;
	s1 =	sshll.u32 s1, $0x11  }
0xbb: {  	s0 =	sor.u32 s1, s0  }
0xbc: {  	s0 =	sadd.s32 $0x8F2B, s0  }
0xbd: {  	[sflag:s0] =	ssyncadd.remote.s32 $0x1  }
0xbe: {  	_ =	sfence.sel $0xFFFF  }
0xbf: {  	[dreg:$0x0] =	wrdreg $0xFFFFFFFF;
	(pc) =	sbr.abs _section_cstart, $3  }
0xc0: {  	[dreg:$0x1] =	wrdreg $0xFFFFFFFF  }
0xc1: {  	_ =	task.clear_ibuf [dreg:s6], $0x2FFFF;
	_ =	strace $0x9FFFFFFF  }
0xc2: {  	(tm) =	ssettm $0x7FFFFFFF  }
0xc3: {  	_ =	shalt  }
tec
execute0_lowered:
.L_overlay_start_1:
0x0: {  	(tag) =	ssettag $0x1  }
0x1: {  	s5 =	rddreg [dreg:$0x0]  }
0x2: {  	s1 =	rddreg [dreg:$0x1];
	s2 =	srdreg.scid  }
0x3: {  	s0 =	rddreg [dreg:$0x2];
	s3 =	simm.s32 $0x0;
	s12 =	simm.s32 $0xA000  }
0x4: {  	s13 =	simm.s32 $0x3;
	s14 =	simm.s32 $0x5000;
	s15 =	simm.s32 $0x80  }
0x5: {  	s16 =	simm.s32 $0x1;
	s17 =	simm.s32 $0xE000;
	s6 =	sand.u32 $0x1, s2  }
0x6: {  	s18 =	simm.s32 $0x2;
	s2 =	stileid.u32;
	s7 =	smul.u32 $0xA0000, s6  }
0x7: {  	s19 =	simm.s32 $0x4E80;
	s22 =	simm.s32 $0x0;
	s8 =	smul.u32 $0xA000, s2  }
0x8: {  	[smem:$0x7FF] =	sst s3;
	s4 =	sadd.s32 $0x17200, s5;
	s9 =	smul.u32 $0xA00, s2  }
0x9: {  	_ =	strace $0x8000004D;
	s29 =	smul.u32 $0x28000, s2;
	s10 =	ssub.s32 $0x2, s6  }
0xa: {  	s20 =	smul.u32 $0x1400, s6;
	s30 =	sshrl.u32 s10, $0x1;
	s7 =	sadd.s32 s8, s7  }
0xb: {  	s9 =	sadd.s32 s9, s5;
	s31 =	sshrl.u32 s29, $0x2;
	s10 =	ssub.s32 s10, s30  }
0xc: {  	s21 =	sadd.s32 $0x1400, s20;
	v0 =	vmov s20;
	s20 =	simm.s32 $0x9E00;
	s7 =	sshrl.u32 s7, $0x3  }
0xd: {  	s8 =	sadd.s32 $0x3200, s9;
	s10 =	smax.u32 s10, $0x1;
	v1 =	vmov s21;
	s21 =	simm.s32 $0x9E80  }
0xe: {  	s11 =	sadd.s32 s7, s5;
	s5 =	sadd.s32 s31, s1;
	s7 =	sadd.s32 $0xD200, s9  }
0xf: {  	v2 =	vimm.f32 $0.0e+00;
	s6 =	sadd.s32 $0x8000, s5;
	s9 =	sadd.s32 $0x3F200, s11;
	s11 =	sadd.s32 $0x4000, s5  }
.LBB2_1:
0x10: {  	s23 =	simm.s32 $0x0;
	s24 =	simm.s32 $0x200  }
.LBB2_2:
0x11: {  	p0 =	sne.s32 s24, $0xFE00;
	[tilespmem:s23+$0xA070] =	vst v2  }
0x12: {  	[tilespmem:s23+$0xA000] =	vst v2  }
0x13: {  	[tilespmem:s23+$0xA010] =	vst v2  }
.Ltmp0:
0x14: {  	[tilespmem:s23+$0xA020] =	vst v2;
	(pc) =	sbr.rel @p0 .LBB2_2-.Ltmp0, $4  }
0x15: {  	[tilespmem:s23+$0xA030] =	vst v2  }
0x16: {  	[tilespmem:s23+$0xA040] =	vst v2  }
0x17: {  	[tilespmem:s23+$0xA050] =	vst v2  }
0x18: {  	[tilespmem:s23+$0xA060] =	vst v2;
	s23 =	sshra.s32 s24, $0x2;
	s24 =	sadd.s32 $0x200, s24  }
0x19: {  	[tilespmem:s23+$0xA070] =	vst v2  }
0x1a: {  	[tilespmem:s23+$0xA000] =	vst v2  }
0x1b: {  	[tilespmem:s23+$0xA010] =	vst v2  }
0x1c: {  	[tilespmem:s23+$0xA020] =	vst v2  }
0x1d: {  	[tilespmem:s23+$0xA030] =	vst v2  }
0x1e: {  	[tilespmem:s23+$0xA040] =	vst v2  }
0x1f: {  	[tilespmem:s23+$0xA050] =	vst v2  }
0x20: {  	[tilespmem:s23+$0xA060] =	vst v2  }
0x21: {  	[spmem:s5] =	stream.linear.scatter [tilespmem:s12], [sflag:$0x3], $0x4000, $0x38;
	[tilespmem:$0x1C200] =	vst v63  }
0x22: {  	_ =	swait.ge [sflag:s13], $0x4000  }
0x23: {  	[sflag:s13] =	ssyncset.done $0x0  }
0x24: {  	[sflag:s13] =	ssyncadd.s32 $0xFFFFC000  }
0x25: {  	[spmem:s11] =	stream.linear.scatter [tilespmem:s12], [sflag:$0x3], $0x4000, $0x38;
	[tilespmem:$0x1C200] =	vst v63  }
0x26: {  	_ =	swait.ge [sflag:s13], $0x4000  }
0x27: {  	[sflag:s13] =	ssyncset.done $0x0  }
0x28: {  	[sflag:s13] =	ssyncadd.s32 $0xFFFFC000  }
0x29: {  	[spmem:s6] =	stream.linear.scatter [tilespmem:s12], [sflag:$0x3], $0x2000, $0x38;
	[tilespmem:$0x1C200] =	vst v63  }
0x2a: {  	_ =	swait.ge [sflag:s13], $0x2000  }
0x2b: {  	[sflag:s13] =	ssyncset.done $0x0  }
0x2c: {  	[sflag:s13] =	ssyncadd.s32 $0xFFFFE000  }
0x2d: {  	[bflag:$0x0] =	sbarrier.arrive $0xFFFF  }
0x2e: {  	[tilespmem:s3], [sflag:$0x3] =	stream.linear.gather [hbm4b:s7+s3], $0x4F00, $0x38;
	[tilespmem:$0x1C200] =	vst v63  }
0x2f: {  	_ =	swait.ge [sflag:s13], $0x4F00  }
0x30: {  	[sflag:s13] =	ssyncset.done $0x0  }
0x31: {  	[sflag:s13] =	ssyncadd.s32 $0xFFFFB100  }
0x32: {  	[tilespmem:s14], [sflag:$0x3] =	stream.linear.gather [hbm4b:s8+s3], $0x4F00, $0x38;
	[tilespmem:$0x1C200] =	vst v63  }
0x33: {  	_ =	swait.ge [sflag:s13], $0x4F00  }
0x34: {  	[sflag:s13] =	ssyncset.done $0x0  }
0x35: {  	s24 =	simm.s32 $0x70;
	[sflag:s13] =	ssyncadd.s32 $0xFFFFB100  }
0x36: {  	v3 =	vld [tilespmem:s24+$0x4FD0]  }
0x37: {  	v4 =	vld [tilespmem:s24+$0x5000];
	_ =	sdelay $0x2  }
0x38: {  	v5 =	vld [tilespmem:s24+$0x4FC0];
	_ =	sdelay $0x1  }
0x39: {  	vm0 =	vge.s32 v4, v0;
	vm1 =	vge.s32 v3, v0  }
0x3a: {  	v6 =	vsub.s32 v3, v0;
	vm2 =	vlt.s32 v4, v1;
	vm3 =	vlt.s32 v3, v1  }
0x3b: {  	v7 =	vand.u32 $0x3F, v4;
	v3 =	vand.u32 $0x3F, v3;
	v4 =	vsub.s32 v4, v0  }
0x3c: {  	v8 =	vand.u32 $0x3F, v5;
	vm0 =	vmand vm0, vm2;
	v7 =	vor.u32 $0x1400, v7  }
0x3d: {  	v3 =	vor.u32 $0x1400, v3;
	v4 =	vsel vm0, v4, v7;
	vm0 =	vmand vm1, vm3  }
0x3e: {  	v9 =	vld [tilespmem:s24+$0x4FA0];
	vm1 =	vlt.s32 v5, v1;
	[tilespmem:s24+$0x5000] =	vst v4;
	v3 =	vsel vm0, v6, v3;
	vm0 =	vge.s32 v5, v0  }
0x3f: {  	v4 =	vor.u32 $0x1400, v8;
	[tilespmem:s24+$0x4FD0] =	vst v3;
	vm0 =	vmand vm0, vm1;
	v3 =	vsub.s32 v5, v0  }
0x40: {  	s23 =	simm.s32 $0xF0;
	v3 =	vsel vm0, v3, v4  }
0x41: {  	v6 =	vld [tilespmem:s23+$0x4FD0];
	[tilespmem:s24+$0x4FC0] =	vst v3  }
0x42: {  	v7 =	vld [tilespmem:s23+$0x5000]  }
0x43: {  	vm1 =	vlt.s32 v9, v1;
	vm0 =	vge.s32 v9, v0;
	v3 =	vand.u32 $0x3F, v9  }
0x44: {  	v5 =	vsub.s32 v9, v0;
	vm0 =	vmand vm0, vm1;
	v4 =	vor.u32 $0x1400, v3;
	v3 =	vld [tilespmem:s23+$0x4FC0]  }
0x45: {  	v4 =	vsel vm0, v5, v4  }
0x46: {  	v5 =	vld [tilespmem:s24+$0x4FB0];
	vm1 =	vge.s32 v6, v0;
	v8 =	vsub.s32 v6, v0;
	v11 =	vand.u32 $0x3F, v6  }
0x47: {  	[tilespmem:s24+$0x4FA0] =	vst v4;
	v4 =	vld [tilespmem:s24+$0x4FE0];
	vm3 =	vlt.s32 v6, v1;
	v13 =	vor.u32 $0x1400, v11;
	vm0 =	vge.s32 v7, v0  }
0x48: {  	v6 =	vld [tilespmem:s24+$0x4FF0];
	vm2 =	vlt.s32 v7, v1;
	v9 =	vand.u32 $0x3F, v7;
	v7 =	vsub.s32 v7, v0  }
0x49: {  	v10 =	vld [tilespmem:s23+$0x4FA0];
	v12 =	vand.u32 $0x3F, v3;
	vm0 =	vmand vm0, vm2;
	v9 =	vor.u32 $0x1400, v9  }
0x4a: {  	vm4 =	vge.s32 v3, v0;
	v7 =	vsel vm0, v7, v9;
	vm0 =	vmand vm1, vm3  }
0x4b: {  	vm2 =	vlt.s32 v3, v1;
	v11 =	vor.u32 $0x1400, v12;
	[tilespmem:s23+$0x5000] =	vst v7;
	v8 =	vsel vm0, v8, v13  }
0x4c: {  	vm3 =	vlt.s32 v5, v1;
	v9 =	vand.u32 $0x3F, v5;
	vm1 =	vge.s32 v4, v0;
	[tilespmem:s23+$0x4FD0] =	vst v8  }
0x4d: {  	vm4 =	vmand vm4, vm2;
	v7 =	vor.u32 $0x1400, v9;
	vm0 =	vge.s32 v6, v0;
	v9 =	vld [tilespmem:s24+$0x4F90]  }
0x4e: {  	s25 =	simm.s32 $0x5C0;
	v12 =	vand.u32 $0x3F, v10;
	vm2 =	vlt.s32 v6, v1;
	v8 =	vsub.s32 v4, v0  }
.LBB2_4:
0x4f: {  	s26 =	sshra.s32 s25, $0x2;
	p0 =	sne.s32 s25, $0x13BC0;
	s25 =	sadd.s32 $0x200, s25;
	vm5 =	vge.s32 v10, v0;
	vm6 =	vlt.s32 v10, v1;
	v13 =	vsub.s32 v6, v0  }
0x50: {  	v12 =	vor.u32 $0x1400, v12;
	v3 =	vsub.s32 v3, v0;
	vm7 =	vge.s32 v5, v0  }
0x51: {  	v10 =	vsub.s32 v10, v0;
	v3 =	vsel vm4, v3, v11;
	vm3 =	vmand vm7, vm3;
	v14 =	vld [tilespmem:s26+$0x4FD0]  }
0x52: {  	v5 =	vsub.s32 v5, v0;
	v11 =	vand.u32 $0x3F, v4;
	[tilespmem:s23+$0x4FC0] =	vst v3;
	vm4 =	vge.s32 v9, v0  }
0x53: {  	v6 =	vand.u32 $0x3F, v6;
	v16 =	vand.u32 $0x3F, v9;
	v17 =	vsub.s32 v9, v0;
	v15 =	vld [tilespmem:s26+$0x5000]  }
0x54: {  	vm5 =	vmand vm5, vm6;
	vm7 =	vlt.s32 v4, v1;
	vm6 =	vlt.s32 v9, v1  }
0x55: {  	v6 =	vor.u32 $0x1400, v6;
	v4 =	vsel vm5, v10, v12;
	vm1 =	vmand vm1, vm7;
	v3 =	vld [tilespmem:s26+$0x4FC0]  }
0x56: {  	vm0 =	vmand vm0, vm2;
	vm4 =	vmand vm4, vm6;
	[tilespmem:s23+$0x4FA0] =	vst v4;
	v4 =	vor.u32 $0x1400, v11  }
0x57: {  	v5 =	vsel vm3, v5, v7;
	v9 =	vor.u32 $0x1400, v16;
	v4 =	vsel vm1, v8, v4  }
0x58: {  	v6 =	vsel vm0, v13, v6;
	v7 =	vsel vm4, v17, v9;
	vm1 =	vge.s32 v15, v0;
	[tilespmem:s24+$0x4FB0] =	vst v5  }
0x59: {  	vm0 =	vge.s32 v14, v0;
	v8 =	vsub.s32 v14, v0;
	vm2 =	vlt.s32 v15, v1;
	v5 =	vld [tilespmem:s23+$0x4FB0];
	[tilespmem:s24+$0x4FE0] =	vst v4  }
0x5a: {  	vm3 =	vlt.s32 v14, v1;
	v9 =	vand.u32 $0x3F, v15;
	vm1 =	vmand vm1, vm2;
	v4 =	vld [tilespmem:s23+$0x4FE0];
	[tilespmem:s24+$0x4FF0] =	vst v6  }
0x5b: {  	v11 =	vand.u32 $0x3F, v14;
	v12 =	vsub.s32 v15, v0;
	v9 =	vor.u32 $0x1400, v9;
	v6 =	vld [tilespmem:s23+$0x4FF0];
	[tilespmem:s24+$0x4F90] =	vst v7;
	s24 =	smov.u32 s23;
	s23 =	smov.u32 s26  }
0x5c: {  	v13 =	vor.u32 $0x1400, v11;
	v9 =	vsel vm1, v12, v9;
	v7 =	vand.u32 $0x3F, v3;
	v10 =	vld [tilespmem:s23+$0x4FA0]  }
.Ltmp1:
0x5d: {  	vm0 =	vmand vm0, vm3;
	vm2 =	vlt.s32 v3, v1;
	[tilespmem:s23+$0x5000] =	vst v9;
	(pc) =	sbr.rel @p0 .LBB2_4-.Ltmp1, $4  }
0x5e: {  	v11 =	vor.u32 $0x1400, v7;
	vm3 =	vlt.s32 v5, v1;
	v7 =	vand.u32 $0x3F, v5  }
0x5f: {  	v8 =	vsel vm0, v8, v13;
	v7 =	vor.u32 $0x1400, v7;
	vm1 =	vge.s32 v4, v0  }
0x60: {  	vm4 =	vge.s32 v3, v0;
	[tilespmem:s23+$0x4FD0] =	vst v8;
	v9 =	vld [tilespmem:s24+$0x4F90];
	v8 =	vsub.s32 v4, v0;
	vm0 =	vge.s32 v6, v0  }
0x61: {  	vm4 =	vmand vm4, vm2;
	vm2 =	vlt.s32 v6, v1;
	v12 =	vand.u32 $0x3F, v10  }
0x62: {  	vm5 =	vge.s32 v10, v0  }
0x63: {  	vm6 =	vlt.s32 v10, v1;
	v12 =	vor.u32 $0x1400, v12;
	v3 =	vsub.s32 v3, v0  }
0x64: {  	vm7 =	vge.s32 v5, v0;
	v46 =	vsub.s32 v10, v0;
	v48 =	vand.u32 $0x3F, v4  }
0x65: {  	vm9 =	vlt.s32 v4, v1;
	v3 =	vsel vm4, v3, v11;
	vm8 =	vmand vm5, vm6  }
0x66: {  	vm3 =	vmand vm7, vm3;
	[tilespmem:s23+$0x4FC0] =	vst v3;
	v3 =	vsub.s32 v5, v0;
	v47 =	vsel vm8, v46, v12  }
0x67: {  	vm1 =	vmand vm1, vm9;
	v49 =	vor.u32 $0x1400, v48;
	[tilespmem:s23+$0x4FA0] =	vst v47;
	v3 =	vsel vm3, v3, v7  }
0x68: {  	v50 =	vand.u32 $0x3F, v6;
	vm0 =	vmand vm0, vm2;
	v4 =	vsel vm1, v8, v49;
	[tilespmem:s24+$0x4FB0] =	vst v3  }
0x69: {  	v5 =	vor.u32 $0x1400, v50;
	vm10 =	vge.s32 v9, v0;
	v3 =	vsub.s32 v6, v0;
	v51 =	vld [tilespmem:s23+$0x4FB0];
	[tilespmem:s24+$0x4FE0] =	vst v4  }
0x6a: {  	v52 =	vand.u32 $0x3F, v9;
	vm11 =	vlt.s32 v9, v1;
	v3 =	vsel vm0, v3, v5;
	v53 =	vld [tilespmem:s23+$0x4FE0]  }
0x6b: {  	v54 =	vsub.s32 v9, v0;
	vm12 =	vmand vm10, vm11;
	v4 =	vor.u32 $0x1400, v52;
	[tilespmem:s24+$0x4FF0] =	vst v3  }
0x6c: {  	v3 =	vsel vm12, v54, v4;
	v55 =	vld [tilespmem:s23+$0x4FF0]  }
0x6d: {  	[tilespmem:s24+$0x4F90] =	vst v3  }
0x6e: {  	v3 =	vld [tilespmem:s23+$0x4F90];
	v56 =	vand.u32 $0x3F, v51;
	vm13 =	vlt.s32 v51, v1;
	vm10 =	vge.s32 v51, v0  }
0x6f: {  	v6 =	vsub.s32 v51, v0;
	v7 =	vor.u32 $0x1400, v56;
	vm14 =	vge.s32 v53, v0  }
0x70: {  	v57 =	vsub.s32 v53, v0;
	vm0 =	vmand vm10, vm13;
	v59 =	vand.u32 $0x3F, v53  }
0x71: {  	vm13 =	vlt.s32 v53, v1;
	vm15 =	vge.s32 v55, v0;
	vm9 =	vlt.s32 v55, v1  }
0x72: {  	v58 =	vsub.s32 v55, v0;
	v4 =	vand.u32 $0x3F, v55;
	vm1 =	vmand vm14, vm13  }
0x73: {  	v62 =	vsel vm0, v6, v7;
	vm11 =	vge.s32 v3, v0;
	v60 =	vand.u32 $0x3F, v3  }
0x74: {  	v61 =	vsub.s32 v3, v0;
	vm12 =	vlt.s32 v3, v1;
	v3 =	vor.u32 $0x1400, v59  }
0x75: {  	v4 =	vor.u32 $0x1400, v4;
	vm14 =	vmand vm15, vm9;
	[tilespmem:s23+$0x4FB0] =	vst v62;
	v3 =	vsel vm1, v57, v3  }
0x76: {  	vm15 =	vmand vm11, vm12;
	v63 =	vor.u32 $0x1400, v60;
	v4 =	vsel vm14, v58, v4;
	[tilespmem:s23+$0x4FE0] =	vst v3  }
0x77: {  	v3 =	vsel vm15, v61, v63;
	[tilespmem:s23+$0x4FF0] =	vst v4  }
0x78: {  	s26 =	simm.s32 $0x0;
	[tilespmem:s23+$0x4F90] =	vst v3  }
0x79: {  	[tilespmem:s12], [sflag:$0x1] =	stream.indirect.gather [hbm4b:s4+s15], $0x80, s26, s15, $0xb8;
	[tilespmem:$0x1C200] =	vst v63  }
0x7a: {  	_ =	swait.ge [sflag:s16], $0x4000  }
0x7b: {  	[sflag:s16] =	ssyncset.done $0x0  }
0x7c: {  	s28 =	simm.s32 $0x80;
	[sflag:s16] =	ssyncadd.s32 $0xFFFFC000  }
0x7d: {  	[tilespmem:s17], [sflag:$0x2] =	stream.indirect.gather [hbm4b:s4+s15], $0x80, s28, s15, $0xb8;
	[tilespmem:$0x1C200] =	vst v63  }
0x7e: {  	s29 =	simm.s32 $0x5000  }
0x7f: {  	[spmem:s1] =	stream.indirect.scatter.add.f32 [tilespmem:s12], [sflag:$0x3], $0x80, s29, s15, $0xb8;
	[tilespmem:$0x1C200] =	vst v63  }
0x80: {  	_ =	swait.ge [sflag:s13], $0x4000  }
0x81: {  	[sflag:s13] =	ssyncset.done $0x0  }
0x82: {  	[sflag:s13] =	ssyncadd.s32 $0xFFFFC000  }
0x83: {  	_ =	swait.ge [sflag:s18], $0x4000  }
0x84: {  	[sflag:s18] =	ssyncset.done $0x0  }
0x85: {  	s30 =	simm.s32 $0x100;
	[sflag:s18] =	ssyncadd.s32 $0xFFFFC000  }
0x86: {  	[tilespmem:s12], [sflag:$0x1] =	stream.indirect.gather [hbm4b:s4+s15], $0x80, s30, s15, $0xb8;
	[tilespmem:$0x1C200] =	vst v63  }
0x87: {  	s31 =	simm.s32 $0x5080  }
0x88: {  	[spmem:s1] =	stream.indirect.scatter.add.f32 [tilespmem:s17], [sflag:$0x3], $0x80, s31, s15, $0xb8;
	[tilespmem:$0x1C200] =	vst v63  }
0x89: {  	_ =	swait.ge [sflag:s13], $0x4000  }
0x8a: {  	s23 =	simm.s32 $0x400;
	[sflag:s13] =	ssyncset.done $0x0  }
.LBB2_6:
0x8b: {  	p0 =	sne.s32 s23, $0x13400  }
0x8c: {  	[sflag:s13] =	ssyncadd.s32 $0xFFFFC000;
	s24 =	smov.u32 s23;
	s23 =	sadd.s32 $0x400, s23  }
0x8d: {  	_ = 	snop  }
0x8e: {  	_ =	swait.ge [sflag:s16], $0x4000  }
0x8f: {  	s24 =	sshra.s32 s24, $0x2;
	[sflag:s16] =	ssyncset.done $0x0  }
0x90: {  	s25 =	sadd.s32 $0x80, s24;
	[sflag:s16] =	ssyncadd.s32 $0xFFFFC000  }
0x91: {  	[tilespmem:s17], [sflag:$0x2] =	stream.indirect.gather [hbm4b:s4+s15], $0x80, s25, s15, $0xb8;
	[tilespmem:$0x1C200] =	vst v63  }
0x92: {  	s25 =	sadd.s32 $0x5000, s24  }
0x93: {  	[spmem:s1] =	stream.indirect.scatter.add.f32 [tilespmem:s12], [sflag:$0x3], $0x80, s25, s15, $0xb8;
	[tilespmem:$0x1C200] =	vst v63  }
0x94: {  	_ =	swait.ge [sflag:s13], $0x4000  }
0x95: {  	[sflag:s13] =	ssyncset.done $0x0  }
0x96: {  	[sflag:s13] =	ssyncadd.s32 $0xFFFFC000  }
0x97: {  	_ =	swait.ge [sflag:s18], $0x4000  }
0x98: {  	[sflag:s18] =	ssyncset.done $0x0  }
0x99: {  	s25 =	sadd.s32 $0x100, s24;
	[sflag:s18] =	ssyncadd.s32 $0xFFFFC000  }
0x9a: {  	[tilespmem:s12], [sflag:$0x1] =	stream.indirect.gather [hbm4b:s4+s15], $0x80, s25, s15, $0xb8;
	[tilespmem:$0x1C200] =	vst v63  }
.Ltmp2:
0x9b: {  	_ = 	snop;
	(pc) =	sbr.rel @p0 .LBB2_6-.Ltmp2, $4  }
0x9c: {  	s24 =	sadd.s32 $0x5080, s24  }
0x9d: {  	[spmem:s1] =	stream.indirect.scatter.add.f32 [tilespmem:s17], [sflag:$0x3], $0x80, s24, s15, $0xb8;
	[tilespmem:$0x1C200] =	vst v63  }
0x9e: {  	_ =	swait.ge [sflag:s13], $0x4000  }
0x9f: {  	[sflag:s13] =	ssyncset.done $0x0  }
0xa0: {  	[sflag:s13] =	ssyncadd.s32 $0xFFFFC000  }
0xa1: {  	_ =	swait.ge [sflag:s16], $0x4000  }
0xa2: {  	[sflag:s16] =	ssyncset.done $0x0  }
0xa3: {  	[sflag:s16] =	ssyncadd.s32 $0xFFFFC000  }
0xa4: {  	[tilespmem:s17], [sflag:$0x2] =	stream.indirect.gather [hbm4b:s4+s15], $0x80, s19, s15, $0xb8;
	[tilespmem:$0x1C200] =	vst v63  }
0xa5: {  	_ = 	snop  }
0xa6: {  	[spmem:s1] =	stream.indirect.scatter.add.f32 [tilespmem:s12], [sflag:$0x3], $0x80, s20, s15, $0xb8;
	[tilespmem:$0x1C200] =	vst v63  }
0xa7: {  	_ =	swait.ge [sflag:s13], $0x4000  }
0xa8: {  	[sflag:s13] =	ssyncset.done $0x0  }
0xa9: {  	[sflag:s13] =	ssyncadd.s32 $0xFFFFC000  }
0xaa: {  	_ =	swait.ge [sflag:s18], $0x4000  }
0xab: {  	[sflag:s18] =	ssyncset.done $0x0  }
0xac: {  	[sflag:s18] =	ssyncadd.s32 $0xFFFFC000  }
0xad: {  	[spmem:s1] =	stream.indirect.scatter.add.f32 [tilespmem:s17], [sflag:$0x3], $0x80, s21, s15, $0xb8;
	[tilespmem:$0x1C200] =	vst v63  }
0xae: {  	_ =	swait.ge [sflag:s13], $0x4000  }
0xaf: {  	s23 =	sshll.u32 s2, $0x6;
	s22 =	sadd.s32 $0x1, s22;
	[sflag:s13] =	ssyncset.done $0x0  }
0xb0: {  	s24 =	sshrl.u32 s5, $0x3;
	p0 =	sne.s32 s22, s10;
	[sflag:s13] =	ssyncadd.s32 $0xFFFFC000  }
.Ltmp3:
0xb1: {  	s23 =	sor.u32 $0x1C03, s23;
	[bflag:$0x0] =	sbarrier.arrive $0xFFFF;
	(pc) =	sbr.rel @p0 .LBB2_1-.Ltmp3, $4  }
0xb2: {  	[hbm:s9], [sflag:s23] =	dma.local [spmem:s24], $0x1400  }
0xb3: {  	_ =	swait.ge [sflag:s13], $0x1400  }
0xb4: {  	[sflag:s13] =	ssyncset.done $0x0  }
0xb5: {  	[sflag:s13] =	ssyncadd.s32 $0xFFFFEC00  }
0xb6: {  	_ =	sfence.sel $0x180000  }
0xb7: {  	[bflag:$0x0] =	sbarrier.arrive $0xFFFF  }
0xb8: {  	p0 =	sne.s32 s2, $0x0;
	_ =	strace $0x9000004D  }
0xb9: {  	s0 =	sadd.s32 @!p0 $0x100000, s0;
	[bflag:$0x2] =	sbarrier.arrive $0xFFFF  }
0xba: {  	[sflag:s0] =	ssyncadd.tile.s32 @!p0 $0x1;
	_ =	shalt  }
.Lfunc_end2:
_tile_overlayer_lowered:
.L_overlay_start_2:
0xbb: {  	(tag) =	ssettag $0x2  }
0xbc: {  	s0 =	rddreg [dreg:$0x0];
	s2 =	stileid.u32  }
0xbd: {  	s1 =	rddreg [dreg:$0x1];
	p0 =	sne.s32 s2, $0x0  }
0xbe: {  	s3 =	rddreg [dreg:$0x2];
	[bflag:$0x3] =	sbarrier.arrive $0xFFFF;
	s2 =	simm.s32 @!p0 $0x1C03  }
0xbf: {  	[timem:s3], [sflag:s2] =	dma.local @!p0 [hbm:s0], s1  }
0xc0: {  	s0 =	simm.s32 @!p0 $0x3  }
0xc1: {  	_ =	swait.ge @!p0 [sflag:s0], s1  }
0xc2: {  	s1 =	ssub.s32 @!p0 $0x0, s1;
	[sflag:s0] =	ssyncset.done @!p0 $0x0  }
0xc3: {  	[sflag:s0] =	ssyncadd.s32 @!p0 s1  }
0xc4: {  	[bflag:$0x3] =	sbarrier.arrive $0xFFFF  }
0xc5: {  	_ =	shalt  }

// kernel: kernel.8.cloned.1.call-start
scs
__scs_entry_jumppad:
0x0: {  	(pc) =	sbr.rel $0x88, $3  }
0x1: {  	(tag) =	ssettag $0x0;
	lr =	simm.s32 $0x1  }
0x2: {  	[smem:$0x3F9B] =	sst lr;
	_ =	strace $0xD0000000  }
0x3: {  	_ = 	snop  }
0x4: {  	_ = 	snop  }
0x5: {  	_ = 	snop  }
0x6: {  	_ = 	snop  }
0x7: {  	_ = 	snop  }
__scs_overlays_trampoline_lowered:
0x8: {  	[smem:$0x3FAA] =	sst s0  }
0x9: {  	[smem:$0x3FAB] =	sst s1  }
0xa: {  	[smem:$0x3FAC] =	sst s2  }
0xb: {  	[smem:$0x3FAD] =	sst s3  }
0xc: {  	[smem:$0x3FAE] =	sst s4  }
0xd: {  	[smem:$0x3FAF] =	sst s5  }
0xe: {  	[smem:$0x3FB0] =	sst s6  }
0xf: {  	[smem:$0x3FB1] =	sst s7  }
0x10: {  	[smem:$0x3FB2] =	sst s8  }
0x11: {  	[smem:$0x3FB3] =	sst s9;
	s0 =	simm.s32 @!p0 $0x0  }
0x12: {  	s1 =	sld [smem:$0x3F99];
	s0 =	simm.s32 @p0 $0x1  }
0x13: {  	[smem:$0x3FB4] =	sst s0;
	s0 =	simm.s32 @!p1 $0x0  }
0x14: {  	s2 =	sld [smem:$0x3F98];
	s0 =	simm.s32 @p1 $0x1  }
0x15: {  	[smem:$0x3FB5] =	sst s0;
	s0 =	simm.s32 @!p2 $0x0  }
0x16: {  	s3 =	sld [smem:$0x3FDB];
	s0 =	simm.s32 @p2 $0x1  }
0x17: {  	s4 =	simm.s32 $0x1BF5;
	[smem:$0x3FB7] =	sst s0  }
0x18: {  	s0 =	sld [smem:$0x3F9A];
	_ =	swait.ge [sflag:s4], $0x0  }
0x19: {  	s7 =	sld [smem:$0x3F9B]  }
0x1a: {  	s8 =	sadd.s32 $0xFFFFE003, lr  }
0x1b: {  	s9 =	sadd.s32 $0xFFFFFEF7, lr;
	s5 =	simm.s32 $0xFFFFFFFF;
	p2 =	slt.u32 s8, $0xFFFFF086  }
0x1c: {  	p1 =	slt.u32 s9, $0xF7A;
	s5 =	simm.s32 @!p2 $0x0  }
0x1d: {  	s5 =	simm.s32 @p1 $0x1;
	p0 =	seq.s32 s7, s2  }
0x1e: {  	s7 =	smul.u32 @!p0 $0xF7A, s2;
	p2 =	seq.s32 @!p0 s5, $0x0  }
0x1f: {  	s9 =	smul.u32 $0xF7A, s1;
	s8 =	simm.s32 @!p0 $0x1BF5;
	p2 =	por !p2, p0  }
0x20: {  	[sflag:s8] =	ssyncset.s32 @!p0 $0xFFFFF086;
	s6 =	sadd.s32 @!p0 s3, s7;
	s7 =	simm.s32 @!p0 $0x108  }
0x21: {  	s3 =	sadd.s32 s3, s9;
	s6 =	sadd.s32 @!p0 $0x88, s6;
	s7 =	simm.s32 @p2 $0x1082  }
0x22: {  	[simem:s7], [sflag:s8] =	dma.local @!p0 [hbm:s6], $0xF7A  }
0x23: {  	s9 =	sor.u32 $0xD0000000, s2;
	s6 =	simm.s32 $0x108;
	_ =	swait.ge @!p0 [sflag:s8], $0x0  }
0x24: {  	s3 =	sadd.s32 $0x88, s3;
	s6 =	simm.s32 @!p1 $0x1082;
	[sflag:s4] =	ssyncset.s32 $0xFFFFF086  }
0x25: {  	[simem:s6], [sflag:s4] =	dma.local [hbm:s3], $0xF7A  }
0x26: {  	[smem:$0x3F9B] =	sst s1;
	(tag) =	ssettag s2;
	_ =	strace s9  }
0x27: {  	s1 =	sld [smem:$0x3FAB]  }
0x28: {  	s2 =	sld [smem:$0x3FAC]  }
0x29: {  	s4 =	sld [smem:$0x3FAE]  }
0x2a: {  	p0 =	seq.s32 s5, $0x0;
	s5 =	sld [smem:$0x3FAF]  }
0x2b: {  	s6 =	sld [smem:$0x3FB0]  }
0x2c: {  	s7 =	sld [smem:$0x3FB1]  }
0x2d: {  	s3 =	simm.s32 $0x108;
	s8 =	sld [smem:$0x3FB2]  }
0x2e: {  	s3 =	simm.s32 @!p0 $0x1082;
	s9 =	sld [smem:$0x3FB3]  }
0x2f: {  	lr =	sadd.s32 s0, s3;
	s0 =	sld [smem:$0x3FAA]  }
0x30: {  	s3 =	sld [smem:$0x3FAD]  }
0x31: {  	[smem:$0x3FB6] =	sst s10  }
0x32: {  	s10 =	sld [smem:$0x3FB4];
	_ =	sdelay $0x3  }
0x33: {  	p0 =	seq.s32 s10, $0x1;
	s10 =	sld [smem:$0x3FB6];
	_ =	sdelay $0x3  }
0x34: {  	[smem:$0x3FB6] =	sst s10  }
0x35: {  	s10 =	sld [smem:$0x3FB5];
	_ =	sdelay $0x3  }
0x36: {  	p1 =	seq.s32 s10, $0x1;
	s10 =	sld [smem:$0x3FB6];
	_ =	sdelay $0x3  }
0x37: {  	[smem:$0x3FB6] =	sst s10  }
0x38: {  	s10 =	sld [smem:$0x3FB7]  }
0x39: {  	_ = 	snop;
	(pc) =	sbr.ind lr, $3  }
0x3a: {  	_ = 	snop  }
0x3b: {  	_ = 	snop  }
0x3c: {  	p2 =	seq.s32 s10, $0x1;
	s10 =	sld [smem:$0x3FB6]  }
0x3d: {  	_ =	shalt  }
0x3e: {  	_ =	shalt  }
0x3f: {  	_ =	shalt  }
0x40: {  	_ =	shalt  }
0x41: {  	_ =	shalt  }
0x42: {  	_ =	shalt  }
0x43: {  	_ =	shalt  }
0x44: {  	_ =	shalt  }
0x45: {  	_ =	shalt  }
0x46: {  	_ =	shalt  }
0x47: {  	_ =	shalt  }
0x48: {  	_ =	shalt  }
0x49: {  	_ =	shalt  }
0x4a: {  	_ =	shalt  }
0x4b: {  	_ =	shalt  }
0x4c: {  	_ =	shalt  }
0x4d: {  	_ =	shalt  }
0x4e: {  	_ =	shalt  }
0x4f: {  	_ =	shalt  }
0x50: {  	_ =	shalt  }
0x51: {  	_ =	shalt  }
0x52: {  	_ =	shalt  }
0x53: {  	_ =	shalt  }
0x54: {  	_ =	shalt  }
0x55: {  	_ =	shalt  }
0x56: {  	_ =	shalt  }
0x57: {  	_ =	shalt  }
0x58: {  	_ =	shalt  }
0x59: {  	_ =	shalt  }
0x5a: {  	_ =	shalt  }
0x5b: {  	_ =	shalt  }
0x5c: {  	_ =	shalt  }
0x5d: {  	_ =	shalt  }
0x5e: {  	_ =	shalt  }
0x5f: {  	_ =	shalt  }
0x60: {  	_ =	shalt  }
0x61: {  	_ =	shalt  }
0x62: {  	_ =	shalt  }
0x63: {  	_ =	shalt  }
0x64: {  	_ =	shalt  }
0x65: {  	_ =	shalt  }
0x66: {  	_ =	shalt  }
0x67: {  	_ =	shalt  }
0x68: {  	_ =	shalt  }
0x69: {  	_ =	shalt  }
0x6a: {  	_ =	shalt  }
0x6b: {  	_ =	shalt  }
0x6c: {  	_ =	shalt  }
0x6d: {  	_ =	shalt  }
0x6e: {  	_ =	shalt  }
0x6f: {  	_ =	shalt  }
0x70: {  	_ =	shalt  }
0x71: {  	_ =	shalt  }
0x72: {  	_ =	shalt  }
0x73: {  	_ =	shalt  }
0x74: {  	_ =	shalt  }
0x75: {  	_ =	shalt  }
0x76: {  	_ =	shalt  }
0x77: {  	_ =	shalt  }
0x78: {  	_ =	shalt  }
0x79: {  	_ =	shalt  }
0x7a: {  	_ =	shalt  }
0x7b: {  	_ =	shalt  }
0x7c: {  	_ =	shalt  }
0x7d: {  	_ =	shalt  }
0x7e: {  	_ =	shalt  }
0x7f: {  	_ =	shalt  }
0x80: {  	_ =	shalt  }
0x81: {  	_ =	shalt  }
0x82: {  	_ =	shalt  }
0x83: {  	_ =	shalt  }
0x84: {  	_ =	shalt  }
0x85: {  	_ =	shalt  }
0x86: {  	_ =	shalt  }
0x87: {  	_ =	shalt  }
.Lfunc_end0:
.L_simem_size_0:
called_computation_lowered:
.L_overlay_start_0:
0x88: {  	s2 =	sld [smem:$0x3FD9]  }
0x89: {  	s3 =	sld [smem:$0x3FFE];
	_ =	sdelay $0x1  }
0x8a: {  	s1 =	srdreg.scid  }
0x8b: {  	s0 =	sand.u32 $0x1, s1  }
0x8c: {  	s17 =	sshll.u32 s0, $0xA;
	s2 =	sadd.s32 s3, s2  }
0x8d: {  	s2 =	sadd.s32 s2, s17  }
0x8e: {  	[smem:$0x3FC2] =	sst s2  }
0x8f: {  	_ = 	snop  }
0x90: {  	s2 =	sld [smem:$0x3FD0];
	(tm) =	ssettm $0x1  }
0x91: {  	s18 =	sld [smem:$0x3FFB];
	_ =	sdelay $0x3  }
0x92: {  	_ =	strace s18  }
0x93: {  	s3 =	sld [smem:$0x3FFC];
	_ =	sdelay $0x3  }
0x94: {  	_ =	strace s3  }
0x95: {  	s3 =	sld [smem:$0x3FFD];
	_ =	sdelay $0x3  }
0x96: {  	_ =	strace s3  }
0x97: {  	_ =	strace $0x8FFFFFFF  }
0x98: {  	s19 =	sld [smem:$0x3FDB];
	_ =	sdelay $0x1  }
0x99: {  	s4 =	simm.s32 $_scs_section_size  }
0x9a: {  	s5 =	simm.s32 $_size__tile_overlayer_lowered;
	s6 =	simm.s32 $_tile_overlayer_lowered  }
0x9b: {  	s22 =	simm.s32 $0x1BFF;
	s21 =	sshll.u32 s6, $0x1;
	s3 =	sadd.s32 s4, s19  }
0x9c: {  	s7 =	simm.s32 $0x0;
	s20 =	sshll.u32 s5, $0x1;
	s5 =	sadd.s32 s21, s3  }
0x9d: {  	[timem:s7], [sflag:s22] =	dma.local [hbm:s5], s20  }
0x9e: {  	_ =	swait.ge [sflag:s22], s20  }
0x9f: {  	s4 =	ssub.s32 $0x0, s20;
	[sflag:s22] =	ssyncset.done $0x0  }
0xa0: {  	[sflag:s22] =	ssyncadd.s32 s4;
	_ =	sdelay $0x1  }
0xa1: {  	s23 =	simm.s32 $0x1B8B  }
0xa2: {  	_ =	swait.ge [sflag:s23], $0x1  }
0xa3: {  	[sflag:s23] =	ssyncset.done $0x0  }
0xa4: {  	s25 =	simm.s32 $0x1B8E;
	s24 =	sld [smem:$0x3FFE];
	[sflag:s23] =	ssyncadd.s32 $0xFFFFFFFF  }
0xa5: {  	s26 =	simm.s32 $execute0_lowered;
	[smem:$0x3FD2] =	sst s25  }
0xa6: {  	s5 =	sshll.u32 s26, $0x1;
	_ =	strace $0x80000046;
	[dreg:$0x1] =	wrdreg $0xFFFFFFFF  }
0xa7: {  	s28 =	simm.s32 $_size_execute0_lowered;
	s3 =	sadd.s32 s3, s5;
	[dreg:$0x0] =	wrdreg $0x0  }
0xa8: {  	s5 =	sshll.u32 s28, $0x1;
	[dreg:$0x2] =	wrdreg s3  }
0xa9: {  	[dreg:$0x3] =	wrdreg s5  }
0xaa: {  	[dreg:$0x4] =	wrdreg $0xC0  }
0xab: {  	_ =	task [dreg:s7], $0x5FFFF  }
0xac: {  	[dreg:$0x1] =	wrdreg $0xFFFFFFFF  }
0xad: {  	[dreg:$0x0] =	wrdreg $0x60  }
0xae: {  	[dreg:$0x2] =	wrdreg s2  }
0xaf: {  	[dreg:$0x3] =	wrdreg s24  }
0xb0: {  	[dreg:$0x4] =	wrdreg $0x43000  }
0xb1: {  	[dreg:$0x5] =	wrdreg $0x9  }
0xb2: {  	_ =	task.clear_ibuf [dreg:s7], $0x6FFFF;
	_ =	strace $0x90000046  }
0xb3: {  	s29 =	simm.s32 $0x9;
	_ =	strace $0x80000048  }
0xb4: {  	_ =	swait.ge [sflag:s29], $0x1  }
0xb5: {  	[sflag:s29] =	ssyncadd.s32 $0xFFFFFFFF  }
0xb6: {  	_ =	strace $0x90000048  }
0xb7: {  	_ =	sfence  }
0xb8: {  	s30 =	sld [smem:$0x0];
	_ =	sdelay $0x2  }
0xb9: {  	s31 =	sshll.u32 s1, $0xD;
	s1 =	sshrl.u32 s1, $0x2  }
0xba: {  	s3 =	sand.u32 $0x4000, s31;
	s1 =	sadd.s32 s1, s30  }
0xbb: {  	s0 =	sor.u32 s3, s0;
	s1 =	sshll.u32 s1, $0x11  }
0xbc: {  	s0 =	sor.u32 s1, s0  }
0xbd: {  	s0 =	sadd.s32 $0x8F2B, s0  }
0xbe: {  	[sflag:s0] =	ssyncadd.remote.s32 $0x1  }
0xbf: {  	_ =	sfence.sel $0xFFFF  }
0xc0: {  	[dreg:$0x0] =	wrdreg $0xFFFFFFFF;
	(pc) =	sbr.abs _section_cstart, $3  }
0xc1: {  	[dreg:$0x1] =	wrdreg $0xFFFFFFFF  }
0xc2: {  	_ =	task.clear_ibuf [dreg:s7], $0x2FFFF;
	_ =	strace $0x9FFFFFFF  }
0xc3: {  	(tm) =	ssettm $0x7FFFFFFF  }
tec
execute0_lowered:
.L_overlay_start_1:
0x0: {  	(tag) =	ssettag $0x1  }
0x1: {  	s4 =	rddreg [dreg:$0x0]  }
0x2: {  	s1 =	srdreg.scid;
	s5 =	rddreg [dreg:$0x1]  }
0x3: {  	s0 =	stileid.u32;
	s2 =	rddreg [dreg:$0x2];
	s3 =	simm.s32 $0x0  }
0x4: {  	s10 =	simm.s32 $0x50;
	s11 =	simm.s32 $0x4000;
	s14 =	simm.s32 $0x0  }
0x5: {  	s6 =	sand.u32 $0x1, s1;
	s7 =	smul.u32 $0x280, s0;
	s1 =	rddreg [dreg:$0x3]  }
0x6: {  	[smem:$0x7FF] =	sst s3;
	s31 =	sshll.u32 s0, $0xC;
	s12 =	sshll.u32 s0, $0x6  }
0x7: {  	s8 =	smul.u32 $0x2800, s6;
	_ =	strace $0x80000047;
	s9 =	ssub.s32 $0x2, s6  }
0x8: {  	s6 =	sshll.u32 s6, $0xB;
	s12 =	sor.u32 $0x1C01, s12;
	s30 =	sshrl.u32 s9, $0x1  }
0x9: {  	s6 =	sadd.s32 s4, s6;
	s4 =	sadd.s32 s7, s2;
	s8 =	sadd.s32 s7, s8  }
0xa: {  	s9 =	ssub.s32 s9, s30;
	s13 =	sshrl.u32 s4, $0x3;
	s8 =	sshrl.u32 s8, $0x3  }
0xb: {  	s7 =	smax.u32 s9, $0x1;
	s9 =	simm.s32 $0x1;
	s8 =	sadd.s32 s8, s5  }
0xc: {  	v0 =	vimm.f32 $1.000000000e+00;
	v1 =	vimm.f32 $0.0e+00;
	s5 =	sadd.s32 s31, s6;
	s6 =	sadd.s32 $0x2800, s8;
	s8 =	simm.s32 $0x4080  }
.LBB2_1:
0xd: {  	[tilespmem:$0x4000] =	vst v0  }
0xe: {  	[tilespmem:$0x4010] =	vst v0  }
0xf: {  	[tilespmem:$0x4020] =	vst v0  }
0x10: {  	[tilespmem:$0x4030] =	vst v0  }
0x11: {  	[tilespmem:$0x4040] =	vst v0  }
0x12: {  	[tilespmem:$0x4080] =	vst v1  }
0x13: {  	[tilespmem:$0x4090] =	vst v1  }
0x14: {  	[tilespmem:$0x40A0] =	vst v1  }
0x15: {  	[tilespmem:$0x40B0] =	vst v1  }
0x16: {  	[tilespmem:$0x40C0] =	vst v1  }
0x17: {  	[tilespmem:$0x40D0] =	vst v1  }
0x18: {  	[tilespmem:$0x40E0] =	vst v1  }
0x19: {  	[tilespmem:$0x40F0] =	vst v1  }
0x1a: {  	[tilespmem:$0x4100] =	vst v1  }
0x1b: {  	[tilespmem:$0x4110] =	vst v1  }
0x1c: {  	[tilespmem:$0x4120] =	vst v1  }
0x1d: {  	[tilespmem:$0x4130] =	vst v1  }
0x1e: {  	[tilespmem:$0x4140] =	vst v1  }
0x1f: {  	[tilespmem:$0x4150] =	vst v1  }
0x20: {  	[tilespmem:$0x4160] =	vst v1  }
0x21: {  	[tilespmem:$0x4170] =	vst v1  }
0x22: {  	[tilespmem:$0x4180] =	vst v1  }
0x23: {  	[tilespmem:$0x4190] =	vst v1  }
0x24: {  	[tilespmem:$0x41A0] =	vst v1  }
0x25: {  	[tilespmem:$0x41B0] =	vst v1  }
0x26: {  	[tilespmem:$0x41C0] =	vst v1  }
0x27: {  	[tilespmem:$0x41D0] =	vst v1  }
0x28: {  	[tilespmem:$0x41E0] =	vst v1  }
0x29: {  	[tilespmem:$0x41F0] =	vst v1  }
0x2a: {  	[tilespmem:$0x4200] =	vst v1  }
0x2b: {  	[tilespmem:$0x4210] =	vst v1  }
0x2c: {  	[tilespmem:$0x4220] =	vst v1  }
0x2d: {  	[tilespmem:$0x4230] =	vst v1  }
0x2e: {  	[tilespmem:$0x4240] =	vst v1  }
0x2f: {  	[tilespmem:$0x4250] =	vst v1  }
0x30: {  	[tilespmem:$0x4260] =	vst v1  }
0x31: {  	[tilespmem:$0x4270] =	vst v1  }
0x32: {  	[tilespmem:$0x4280] =	vst v1  }
0x33: {  	[tilespmem:$0x4290] =	vst v1  }
0x34: {  	[tilespmem:$0x42A0] =	vst v1  }
0x35: {  	[tilespmem:$0x42B0] =	vst v1  }
0x36: {  	[tilespmem:$0x42C0] =	vst v1  }
0x37: {  	[tilespmem:$0x42D0] =	vst v1  }
0x38: {  	[tilespmem:$0x42E0] =	vst v1  }
0x39: {  	[tilespmem:$0x42F0] =	vst v1  }
0x3a: {  	[spmem:s4] =	stream.linear.scatter [tilespmem:s8], [sflag:$0x1], $0x280, $0x38;
	[tilespmem:$0x4580] =	vst v63  }
0x3b: {  	_ =	swait.ge [sflag:s9], $0x280  }
0x3c: {  	[sflag:s9] =	ssyncset.done $0x0  }
0x3d: {  	[sflag:s9] =	ssyncadd.s32 $0xFFFFFD80  }
0x3e: {  	[bflag:$0x0] =	sbarrier.arrive $0xFFFF  }
0x3f: {  	[tilespmem:s3], [sflag:$0x1] =	stream.linear.gather [hbm4b:s5+s3], $0x3E80, $0x38;
	[tilespmem:$0x4580] =	vst v63  }
0x40: {  	_ =	swait.ge [sflag:s9], $0x3E80  }
0x41: {  	[sflag:s9] =	ssyncset.done $0x0  }
0x42: {  	s15 =	simm.s32 $0x0;
	[sflag:s9] =	ssyncadd.s32 $0xFFFFC180  }
0x43: {  	[spmem:s2] =	stream.indirect.scatter.add.f32 [tilespmem:s11], [sflag:$0x1], $0x1, s15, s10, $0xb8;
	[tilespmem:$0x4580] =	vst v63  }
0x44: {  	_ =	swait.ge [sflag:s9], $0x50  }
0x45: {  	s15 =	simm.s32 $0x200;
	[sflag:s9] =	ssyncset.done $0x0  }
.LBB2_2:
0x46: {  	s16 =	sshra.s32 s15, $0x2;
	[sflag:s9] =	ssyncadd.s32 $0xFFFFFFB0;
	p0 =	sne.s32 s15, $0xF800  }
0x47: {  	[spmem:s2] =	stream.indirect.scatter.add.f32 [tilespmem:s11], [sflag:$0x1], $0x1, s16, s10, $0xb8;
	[tilespmem:$0x4580] =	vst v63  }
.Ltmp0:
0x48: {  	_ = 	snop;
	(pc) =	sbr.rel @p0 .LBB2_2-.Ltmp0, $4  }
0x49: {  	_ = 	snop  }
0x4a: {  	s15 =	sadd.s32 $0x200, s15  }
0x4b: {  	_ =	swait.ge [sflag:s9], $0x50  }
0x4c: {  	[sflag:s9] =	ssyncset.done $0x0  }
0x4d: {  	s14 =	sadd.s32 $0x1, s14  }
0x4e: {  	[sflag:s9] =	ssyncadd.s32 $0xFFFFFFB0;
	p0 =	sne.s32 s14, s7  }
.Ltmp1:
0x4f: {  	[bflag:$0x0] =	sbarrier.arrive $0xFFFF;
	(pc) =	sbr.rel @p0 .LBB2_1-.Ltmp1, $4  }
0x50: {  	[hbm:s6], [sflag:s12] =	dma.local [spmem:s13], $0x50  }
0x51: {  	_ =	swait.ge [sflag:s9], $0x50  }
0x52: {  	[sflag:s9] =	ssyncset.done $0x0  }
0x53: {  	[sflag:s9] =	ssyncadd.s32 $0xFFFFFFB0  }
0x54: {  	_ =	sfence.sel $0x180000  }
0x55: {  	[bflag:$0x0] =	sbarrier.arrive $0xFFFF  }
0x56: {  	p0 =	sne.s32 s0, $0x0;
	_ =	strace $0x90000047  }
0x57: {  	s0 =	sadd.s32 @!p0 $0x100000, s1;
	[bflag:$0x2] =	sbarrier.arrive $0xFFFF  }
0x58: {  	[sflag:s0] =	ssyncadd.tile.s32 @!p0 $0x1;
	_ =	shalt  }
.Lfunc_end2:
_tile_overlayer_lowered:
.L_overlay_start_2:
0x59: {  	(tag) =	ssettag $0x2  }
0x5a: {  	s0 =	rddreg [dreg:$0x0];
	s2 =	stileid.u32  }
0x5b: {  	s1 =	rddreg [dreg:$0x1];
	p0 =	sne.s32 s2, $0x0  }
0x5c: {  	s3 =	rddreg [dreg:$0x2];
	[bflag:$0x3] =	sbarrier.arrive $0xFFFF;
	s2 =	simm.s32 @!p0 $0x1C01  }
0x5d: {  	[timem:s3], [sflag:s2] =	dma.local @!p0 [hbm:s0], s1  }
0x5e: {  	s0 =	simm.s32 @!p0 $0x1  }
0x5f: {  	_ =	swait.ge @!p0 [sflag:s0], s1  }
0x60: {  	s1 =	ssub.s32 @!p0 $0x0, s1;
	[sflag:s0] =	ssyncset.done @!p0 $0x0  }
0x61: {  	[sflag:s0] =	ssyncadd.s32 @!p0 s1  }
0x62: {  	[bflag:$0x3] =	sbarrier.arrive $0xFFFF  }
0x63: {  	_ =	shalt  }

</sc_bundles>
